<compile_context>
chip_gen: v7x
topology: tpu7x:2x2x1
jax: 0.10.2.dev20260603
libtpu: 0.0.44.dev20260713+nightly
codegen_flags: <defaults>
</compile_context>

<pallas_src>
import functools

import jax
import jax.numpy as jnp
from jax import lax
from jax.experimental import pallas as pl
from jax.experimental.pallas import tpu as pltpu
from jax.experimental.pallas import tpu_sc as plsc

N = 50000
E = 800000
NODE_DIM = 64
EDGE_DIM = 32
NUM_LAYERS = 3
NUM_ROBOTS = 2

DG = 16
GW = 1280
PK = 8
R = 4000
NCP = E // PK // R
CHN = 5000
PD = PK * NODE_DIM


def _sc_gather(table, idx):
    mesh = plsc.VectorSubcoreMesh(core_axis_name="core",
                                  subcore_axis_name="subcore")

    @functools.partial(
        pl.kernel,
        out_type=jax.ShapeDtypeStruct((E, DG), jnp.float32),
        mesh=mesh,
        compiler_params=pltpu.CompilerParams(use_tc_tiling_on_sc=False),
    )
    def gk(x_hbm, i_hbm, o_hbm):
        def body(i_vmem, o_vmem):
            pltpu.sync_copy(x_hbm.at[i_vmem.at[0]], o_vmem)

        pltpu.emit_pipeline(
            body,
            grid=(E // GW,),
            in_specs=[pl.BlockSpec((1, GW), index_map=lambda i: (0, i))],
            out_specs=[pl.BlockSpec((GW, DG), index_map=lambda i: (i, 0))],
            core_axis_name=("core", "subcore"),
            dimension_semantics=(pltpu.PARALLEL,),
        )(i_hbm, o_hbm)

    return gk(table, idx.reshape(1, E))


def _dot(a, b):
    f32 = jnp.float32
    bf = jnp.bfloat16
    ahi = a.astype(bf)
    alo = (a - ahi.astype(f32)).astype(bf)
    bhi = b.astype(bf)
    blo = (b - bhi.astype(f32)).astype(bf)
    dn = (((1,), (0,)), ((), ()))
    dot = lambda x, y: jax.lax.dot_general(x, y, dn,
                                           preferred_element_type=f32)
    return dot(alo, bhi) + dot(ahi, blo) + dot(ahi, bhi)


def _dot_fast(a, b):
    return jax.lax.dot_general(a.astype(jnp.bfloat16), b,
                               (((1,), (0,)), ((), ())),
                               preferred_element_type=jnp.float32)


def hdot0(a, b):
    return jax.lax.dot_general(a, b, (((1,), (0,)), ((), ())),
                               precision=jax.lax.Precision.HIGHEST)


def _bdiag(w, reps):
    r, c = w.shape
    out = jnp.zeros((r * reps, c * reps), w.dtype)
    for j in range(reps):
        out = out.at[j * r:(j + 1) * r, j * c:(j + 1) * c].set(w)
    return out


def _fold(v):
    t = v[0:1, 0:NODE_DIM]
    for j in range(1, PK):
        t = t + v[0:1, j * NODE_DIM:(j + 1) * NODE_DIM]
    return t


def _edge_pass_body(gp_ref, efp_ref, ones_row, nw1bd, nb1t, ew1bd, eb1t,
                    onesbd, abd, bbd, dconst, wt, out_ref,
                    acc, cacc, dt):
    l = pl.program_id(0)
    c = pl.program_id(1)

    @pl.when(c == 0)
    def _():
        @pl.when(l == 0)
        def _():
            cacc[...] = jnp.zeros_like(cacc)

        @pl.when(l > 0)
        def _():
            cacc[...] = cacc[...] + _fold(acc[...]) * (1.0 / E)

        acc[...] = jnp.zeros_like(acc)
        d = dconst[0] + _dot(cacc[...], wt[0])
        dt[...] = jnp.concatenate([d] * PK, axis=1)

    def dot2(x, b):
        hi = x.astype(jnp.bfloat16)
        lo = (x - hi.astype(jnp.float32)).astype(jnp.bfloat16)
        return _dot_fast(hi, b) + _dot_fast(lo, b)

    r1 = jax.nn.relu(_dot_fast(gp_ref[...], nw1bd[...]) + nb1t[...])
    r2 = jax.nn.relu(_dot_fast(efp_ref[...], ew1bd[...]) + eb1t[...])
    u = dot2(r1, abd[0]) + _dot_fast(r2, bbd[0]) + dt[...]
    h = jax.nn.relu(u)
    mu = dot2(h, onesbd[...]) * (1.0 / NODE_DIM)
    dlt = h - mu
    var = dot2(dlt * dlt, onesbd[...]) * (1.0 / NODE_DIM)
    v = var + 1e-5
    r0 = jax.lax.rsqrt(v)
    rs = r0 * (1.5 - 0.5 * v * r0 * r0)
    m = dlt * rs
    mhi = m.astype(jnp.bfloat16)
    mlo = (m - mhi.astype(jnp.float32)).astype(jnp.bfloat16)
    acc[...] = (acc[...] + _dot_fast(ones_row[...], mhi)
                + _dot_fast(ones_row[...], mlo))

    @pl.when((l == NUM_LAYERS - 1) & (c == NCP - 1))
    def _():
        out_ref[...] = cacc[...] + _fold(acc[...]) * (1.0 / E)


def _edge_pass(gp, efp, ones_row, nw1bd, nb1t, ew1bd, eb1t, onesbd,
               abd, bbd, dconst, wt):
    full2 = lambda arr: pl.BlockSpec(arr.shape, lambda l, c: (0, 0))
    per_layer = lambda arr: pl.BlockSpec((1,) + arr.shape[1:],
                                         lambda l, c: (l, 0, 0))
    return pl.pallas_call(
        _edge_pass_body,
        grid=(NUM_LAYERS, NCP),
        in_specs=[
            pl.BlockSpec((R, PK * DG), lambda l, c: (c, 0)),
            pl.BlockSpec((R, PK * 3), lambda l, c: (c, 0)),
            full2(ones_row),
            full2(nw1bd), full2(nb1t), full2(ew1bd), full2(eb1t),
            full2(onesbd),
            per_layer(abd), per_layer(bbd), per_layer(dconst),
            per_layer(wt),
        ],
        out_specs=pl.BlockSpec((1, NODE_DIM), lambda l, c: (0, 0)),
        out_shape=jax.ShapeDtypeStruct((1, NODE_DIM), jnp.float32),
        scratch_shapes=[
            pltpu.VMEM((1, PD), jnp.float32),
            pltpu.VMEM((1, NODE_DIM), jnp.float32),
            pltpu.VMEM((1, PD), jnp.float32),
        ],
    )(gp, efp, ones_row, nw1bd, nb1t, ew1bd, eb1t, onesbd,
      abd, bbd, dconst, wt)


def _affinity_body(nf_ref, ct, nw1, nb1, nw2, nb2, w1r, w1f, w1f2, bc, w2p,
                   ab2, out_ref, rpre, base):
    c = pl.program_id(0)

    def node_mlp(x):
        return _dot(jax.nn.relu(_dot(x, nw1[...]) + nb1[...]),
                    nw2[...]) + nb2[...]

    @pl.when(c == 0)
    def _():
        z8 = node_mlp(nf_ref[0:8, :]) + ct[...]
        rpre[...] = _dot(z8, w1r[...])
        base[...] = bc[...] + _dot(ct[...], w1f[...])

    r = jax.nn.relu(_dot(nf_ref[...], nw1[...]) + nb1[...])
    f = _dot(r, w1f2[...]) + base[...]
    s0 = _dot(jax.nn.relu(f + rpre[0:1, :]), w2p[...]) + ab2[...]
    s1 = _dot(jax.nn.relu(f + rpre[1:2, :]), w2p[...]) + ab2[...]
    out_ref[...] = jnp.concatenate([s0[:, 0:1], s1[:, 0:1]], axis=1)


def _affinity(nf8, ct, nw1, nb1, nw2, nb2, w1r, w1f, w1f2, bc, w2p, ab2):
    full2 = lambda arr: pl.BlockSpec(arr.shape, lambda c: (0, 0))
    return pl.pallas_call(
        _affinity_body,
        grid=(N // CHN,),
        in_specs=[
            pl.BlockSpec((CHN, 8), lambda c: (c, 0)),
            full2(ct), full2(nw1), full2(nb1), full2(nw2), full2(nb2),
            full2(w1r), full2(w1f), full2(w1f2), full2(bc), full2(w2p),
            full2(ab2),
        ],
        out_specs=pl.BlockSpec((CHN, 2), lambda c: (c, 0)),
        out_shape=jax.ShapeDtypeStruct((N, 2), jnp.float32),
        scratch_shapes=[
            pltpu.VMEM((8, NODE_DIM), jnp.float32),
            pltpu.VMEM((1, NODE_DIM), jnp.float32),
        ],
    )(nf8, ct, nw1, nb1, nw2, nb2, w1r, w1f, w1f2, bc, w2p, ab2)


def kernel(node_features, edge_features, edge_indices, params):
    p = params
    bf = jnp.bfloat16
    src = edge_indices[:, 0]
    nf16 = jnp.pad(node_features, ((0, 0), (0, DG - 5)))

    g = _sc_gather(nf16, src)
    gp = g.reshape(E // PK, PK * DG)
    efp = edge_features.reshape(E // PK, PK * 3).astype(bf)

    nw1g = jnp.pad(p["ne_W1"], ((0, DG - 5), (0, 0)))
    nw1bd = _bdiag(nw1g, PK).astype(bf)
    nb1t = jnp.tile(p["ne_b1"].reshape(1, -1), (1, PK))
    ew1bd = _bdiag(p["ee_W1"], PK).astype(bf)
    eb1t = jnp.tile(p["ee_b1"].reshape(1, -1), (1, PK))
    onesbd = _bdiag(jnp.ones((NODE_DIM, NODE_DIM), jnp.float32),
                    PK).astype(bf)

    wt = jnp.stack([lp["W"][:NODE_DIM] for lp in p["layers"]])
    wb = jnp.stack([lp["W"][NODE_DIM:] for lp in p["layers"]])
    abd = jnp.stack([_bdiag(hdot0(p["ne_W2"], w), PK) for w in wt]).astype(bf)
    bbd = jnp.stack([_bdiag(hdot0(p["ee_W2"], w), PK) for w in wb]).astype(bf)
    dconst = jnp.stack([
        (p["ne_b2"].reshape(1, -1) @ wt[i] + p["ee_b2"].reshape(1, -1) @ wb[i]
         + lp["b"].reshape(1, -1))
        for i, lp in enumerate(p["layers"])])
    ones_row = jnp.ones((1, R), jnp.float32)

    ct = _edge_pass(gp, efp, ones_row, nw1bd, nb1t, ew1bd, eb1t, onesbd,
                    abd, bbd, dconst, wt)

    hdot = functools.partial(jax.lax.dot_general,
                             dimension_numbers=(((1,), (0,)), ((), ())),
                             precision=jax.lax.Precision.HIGHEST)
    nf8 = jnp.pad(node_features, ((0, 0), (0, 3)))
    nw1a = jnp.pad(p["ne_W1"], ((0, 3), (0, 0)))
    nb1 = p["ne_b1"].reshape(1, -1)
    nb2 = p["ne_b2"].reshape(1, -1)
    w1r = p["af_W1"][:NODE_DIM]
    w1f = p["af_W1"][NODE_DIM:]
    w1f2 = hdot(p["ne_W2"], w1f)
    bc = hdot(nb2, w1f) + p["af_b1"].reshape(1, -1)
    w2p = jnp.pad(p["af_W2"], ((0, 0), (0, 7)))
    ab2 = jnp.broadcast_to(p["af_b2"].reshape(1, 1), (1, 8))

    s = _affinity(nf8, ct, nw1a, nb1, p["ne_W2"], nb2,
                  w1r, w1f, w1f2, bc, w2p, ab2)
    return s[NUM_ROBOTS:, :].T

# --- scband reference (transcript-rebuilt; emitter-appended) ---
"""Pipeline reference for scband-m-gnn-20675972563236 (READ-ONLY COPY).

The authoritative reference and input builder live on the scoring server;
editing this copy changes nothing except your own understanding.
"""

import jax, jax.numpy as jnp
import numpy as np

N = 50000
E = 800000
NODE_DIM = 64
EDGE_DIM = 32
NUM_LAYERS = 3
NUM_ROBOTS = 2


def _init_linear(key, fan_in, fan_out):
    k1, k2 = jax.random.split(key)
    bound = 1.0 / np.sqrt(fan_in)
    W = jax.random.uniform(k1, (fan_in, fan_out), minval=-bound, maxval=bound, dtype=jnp.float32)
    b = jax.random.uniform(k2, (fan_out,), minval=-bound, maxval=bound, dtype=jnp.float32)
    return W, b


def setup_inputs(seed: int = 0) -> dict:
    key = jax.random.key(seed)
    ks = jax.random.split(key, 16)
    node_features = jax.random.normal(ks[0], (N, 5), dtype=jnp.float32)
    edge_features = jax.random.normal(ks[1], (E, 3), dtype=jnp.float32)
    edge_indices = jax.random.randint(ks[2], (E, 2), 0, N, dtype=jnp.int32)

    ne_W1, ne_b1 = _init_linear(ks[3], 5, NODE_DIM)
    ne_W2, ne_b2 = _init_linear(ks[4], NODE_DIM, NODE_DIM)
    ee_W1, ee_b1 = _init_linear(ks[5], 3, EDGE_DIM)
    ee_W2, ee_b2 = _init_linear(ks[6], EDGE_DIM, EDGE_DIM)
    layers = []
    for i in range(NUM_LAYERS):
        Wg, bg = _init_linear(ks[7 + i], NODE_DIM + EDGE_DIM, NODE_DIM)
        layers.append({"W": Wg, "b": bg, "gamma": jnp.ones((NODE_DIM,), jnp.float32), "beta": jnp.zeros((NODE_DIM,), jnp.float32)})
    af_W1, af_b1 = _init_linear(ks[10], NODE_DIM * 2, 64)
    af_W2, af_b2 = _init_linear(ks[11], 64, 1)

    params = {
        "ne_W1": ne_W1, "ne_b1": ne_b1, "ne_W2": ne_W2, "ne_b2": ne_b2,
        "ee_W1": ee_W1, "ee_b1": ee_b1, "ee_W2": ee_W2, "ee_b2": ee_b2,
        "layers": layers,
        "af_W1": af_W1, "af_b1": af_b1, "af_W2": af_W2, "af_b2": af_b2,
    }
    return {"node_features": node_features, "edge_features": edge_features, "edge_indices": edge_indices, "params": params}


def _layer_norm(x, gamma, beta, eps=1e-5):
    mu = x.mean(axis=-1, keepdims=True)
    var = x.var(axis=-1, keepdims=True)
    return (x - mu) / jnp.sqrt(var + eps) * gamma + beta


def _mlp2(x, W1, b1, W2, b2):
    return jax.nn.relu(x @ W1 + b1) @ W2 + b2


def reference(node_features, edge_features, edge_indices, params):
    nodes = _mlp2(node_features, params["ne_W1"], params["ne_b1"], params["ne_W2"], params["ne_b2"])
    edges = _mlp2(edge_features, params["ee_W1"], params["ee_b1"], params["ee_W2"], params["ee_b2"])
    src = edge_indices[:, 0]
    for lp in params["layers"]:
        msg_in = jnp.concatenate([jnp.take(nodes, src, axis=0), edges], axis=-1)
        h = jax.nn.relu(msg_in @ lp["W"] + lp["b"])
        m = _layer_norm(h, lp["gamma"], lp["beta"])
        # Faithful to the original: global mean over ALL edge messages,
        # broadcast-added to every node.
        nodes = nodes + m.mean(axis=0)
    robots = nodes[:NUM_ROBOTS]
    frontiers = nodes[NUM_ROBOTS:]
    Fn = frontiers.shape[0]
    pairs = jnp.concatenate([
        jnp.broadcast_to(robots[:, None, :], (NUM_ROBOTS, Fn, NODE_DIM)),
        jnp.broadcast_to(frontiers[None, :, :], (NUM_ROBOTS, Fn, NODE_DIM)),
    ], axis=-1)
    h = jax.nn.relu(pairs @ params["af_W1"] + params["af_b1"])
    affinity = (h @ params["af_W2"] + params["af_b2"])[..., 0]
    return affinity

if __name__ == "__main__":
    import jax
    _d = setup_inputs()
    print(jax.jit(kernel)(*tuple(_d.values())))

</pallas_src>

<mosaic_0001>
#map = affine_map<(d0, d1) -> (0, 0)>
module attributes {stable_mosaic.version = 14 : i64} {
  func.func @gk(%arg0: i32, %arg1: i32, %arg2: memref<50000x16xf32, #tpu.memory_space<hbm>>, %arg3: memref<1x800000xi32, #tpu.memory_space<hbm>>, %arg4: memref<800000x16xf32, #tpu.memory_space<hbm>>) attributes {dimension_semantics = [#tpu.dimension_semantics<core_parallel>, #tpu.dimension_semantics<subcore_parallel>], iteration_bounds = array<i64: 2, 16>, scalar_prefetch = 0 : i64, scratch_operands = 0 : i64, tpu.core_type = #tpu.core_type<sc_vector_subcore>, window_params = [{transform_indices = #map}, {transform_indices = #map}, {transform_indices = #map}]} {
    %mul3A = arith.constant 1 : i32
    %mul3A_0 = arith.muli %arg1, %mul3A : i32
    %add3A = arith.constant 0 : i32
    %add3A_1 = arith.addi %add3A, %mul3A_0 : i32
    %mul3A_2 = arith.constant 16 : i32
    %mul3A_3 = arith.muli %arg0, %mul3A_2 : i32
    %add3A_4 = arith.addi %add3A_1, %mul3A_3 : i32
    %lt3A = arith.constant 17 : i32
    %lt3A_5 = arith.cmpi slt, %add3A_4, %lt3A : i32
    %jit3A = arith.constant 20 : i32
    %jit3A_6 = arith.constant 19 : i32
    %select_n3A = arith.select %lt3A_5, %jit3A, %jit3A_6 : i32
    %lt3A_7 = arith.constant 17 : i32
    %lt3A_8 = arith.cmpi slt, %add3A_4, %lt3A_7 : i32
    %mul3A_9 = arith.muli %add3A_4, %select_n3A : i32
    %mul3A_10 = arith.constant 19 : i32
    %mul3A_11 = arith.muli %add3A_4, %mul3A_10 : i32
    %add3A_12 = arith.constant 17 : i32
    %add3A_13 = arith.addi %mul3A_11, %add3A_12 : i32
    %select_n3A_14 = arith.select %lt3A_8, %mul3A_9, %add3A_13 : i32
    %mul3A_15 = arith.constant 1 : i32
    %mul3A_16 = arith.muli %mul3A_15, %select_n3A : i32
    "tpu.region"() ({
      %run_scoped3A = memref.alloca() : memref<2x1x1280xi32, #tpu.memory_space<vmem>>
      %run_scoped3A_17 = tpu.sem_alloc : memref<2x!tpu.dma_semaphore, #tpu.memory_space<semaphore_mem>>
      %run_scoped3A_18 = memref.alloca() : memref<2x1280x16xf32, #tpu.memory_space<vmem>>
      %run_scoped3A_19 = tpu.sem_alloc : memref<2x!tpu.dma_semaphore, #tpu.memory_space<semaphore_mem>>
      %gt3A = arith.constant 0 : i32
      %gt3A_20 = arith.cmpi sgt, %mul3A_16, %gt3A : i32
      %convert_element_type3A = arith.extui %gt3A_20 : i1 to i32
      %cond3A = arith.constant 0 : i32
      %cond3A_21 = arith.cmpi ne, %convert_element_type3A, %cond3A : i32
      scf.if %cond3A_21 {
        %mul3A_22 = arith.constant 1 : i32
        %mul3A_23 = arith.muli %mul3A_22, %select_n3A : i32
        %sub3A = arith.constant 1 : i32
        %sub3A_24 = arith.subi %mul3A_23, %sub3A : i32
        %eq3A = arith.constant 0 : i32
        %eq3A_25 = arith.cmpi eq, %sub3A_24, %eq3A : i32
        %add3A_26 = arith.constant 0 : i32
        %add3A_27 = arith.addi %add3A_26, %select_n3A_14 : i32
        %select_n3A_28 = arith.constant true
        %select_n3A_29 = arith.constant 0 : i32
        %select_n3A_30 = arith.constant -1 : i32
        %select_n3A_31 = arith.select %select_n3A_28, %select_n3A_30, %select_n3A_29 : i32
        %eq3A_32 = arith.constant -1 : i32
        %eq3A_33 = arith.cmpi eq, %select_n3A_31, %eq3A_32 : i32
        %sub3A_34 = arith.constant 1 : i32
        %sub3A_35 = arith.subi %select_n3A, %sub3A_34 : i32
        %select_n3A_36 = arith.select %eq3A_33, %sub3A_35, %select_n3A_31 : i32
        %add3A_37 = arith.addi %select_n3A_36, %select_n3A_14 : i32
        %select_n3A_38 = arith.constant true
        %select_n3A_39 = arith.constant 0 : i32
        %select_n3A_40 = arith.constant 1 : i32
        %select_n3A_41 = arith.select %select_n3A_38, %select_n3A_40, %select_n3A_39 : i32
        %eq3A_42 = arith.cmpi eq, %select_n3A_41, %select_n3A : i32
        %select_n3A_43 = arith.constant 0 : i32
        %select_n3A_44 = arith.select %eq3A_42, %select_n3A_43, %select_n3A_41 : i32
        %add3A_45 = arith.addi %select_n3A_44, %select_n3A_14 : i32
        %add3A_46 = arith.constant 1 : i32
        %add3A_47 = arith.addi %select_n3A_44, %add3A_46 : i32
        %select_n3A_48 = arith.constant true
        %select_n3A_49 = arith.select %select_n3A_48, %add3A_47, %select_n3A_44 : i32
        %eq3A_50 = arith.cmpi eq, %select_n3A_49, %select_n3A : i32
        %select_n3A_51 = arith.constant 0 : i32
        %select_n3A_52 = arith.select %eq3A_50, %select_n3A_51, %select_n3A_49 : i32
        %add3A_53 = arith.addi %select_n3A_52, %select_n3A_14 : i32
        "tpu.trace_start"() <{level = 10 : i32, message = "ep_initialize_0"}> : () -> ()
        %rem3A = arith.constant 0 : i32
        %rem3A_54 = arith.constant 2 : i32
        %rem3A_55 = arith.remui %rem3A, %rem3A_54 : i32
        %mul3A_56 = arith.constant 1280 : i32
        %mul3A_57 = arith.muli %mul3A_56, %add3A_27 : i32
        %dma_start3A = arith.constant 0 : i32
        %dma_start3A_58 = arith.constant 0 : i32
        %dma_start3A_59 = tpu.memref_slice %run_scoped3A[%rem3A_55, %dma_start3A, %dma_start3A_58] : memref<2x1x1280xi32, #tpu.memory_space<vmem>> -> memref<1x1x1280xi32, #tpu.memory_space<vmem>>
        %dma_start3A_60 = tpu.memref_squeeze %dma_start3A_59 : memref<1x1x1280xi32, #tpu.memory_space<vmem>> -> memref<1x1280xi32, #tpu.memory_space<vmem>>
        %dma_start3A_61 = arith.constant 0 : i32
        %dma_start3A_62 = tpu.memref_slice %arg3[%dma_start3A_61, %mul3A_57] : memref<1x800000xi32, #tpu.memory_space<hbm>> -> memref<1x1280xi32, #tpu.memory_space<hbm>>
        %dma_start3A_63 = tpu.memref_slice %run_scoped3A_17[%rem3A_55] : memref<2x!tpu.dma_semaphore, #tpu.memory_space<semaphore_mem>> -> memref<1x!tpu.dma_semaphore, #tpu.memory_space<semaphore_mem>>
        %dma_start3A_64 = tpu.memref_squeeze %dma_start3A_63 : memref<1x!tpu.dma_semaphore, #tpu.memory_space<semaphore_mem>> -> memref<!tpu.dma_semaphore, #tpu.memory_space<semaphore_mem>>
        %dma_start3A_65 = arith.constant 0 : i32
        %dma_start3A_66 = arith.constant 0 : i32
        %dma_start3A_67 = tpu.memref_slice %run_scoped3A[%rem3A_55, %dma_start3A_65, %dma_start3A_66] : memref<2x1x1280xi32, #tpu.memory_space<vmem>> -> memref<1x1x1280xi32, #tpu.memory_space<vmem>>
        %dma_start3A_68 = tpu.memref_squeeze %dma_start3A_67 : memref<1x1x1280xi32, #tpu.memory_space<vmem>> -> memref<1x1280xi32, #tpu.memory_space<vmem>>
        %dma_start3A_69 = arith.constant 0 : i32
        %dma_start3A_70 = tpu.memref_slice %arg3[%dma_start3A_69, %mul3A_57] : memref<1x800000xi32, #tpu.memory_space<hbm>> -> memref<1x1280xi32, #tpu.memory_space<hbm>>
        tpu.enqueue_dma source(%dma_start3A_70 : memref<1x1280xi32, #tpu.memory_space<hbm>>) target(%dma_start3A_68 : memref<1x1280xi32, #tpu.memory_space<vmem>>) target_semaphore(%dma_start3A_64 : memref<!tpu.dma_semaphore, #tpu.memory_space<semaphore_mem>>)
        %add3A_71 = arith.constant 0 : i32
        %add3A_72 = arith.constant 1 : i32
        %add3A_73 = arith.addi %add3A_71, %add3A_72 : i32
        %select_n3A_74 = arith.constant true
        %select_n3A_75 = arith.constant 0 : i32
        %select_n3A_76 = arith.select %select_n3A_74, %add3A_73, %select_n3A_75 : i32
        %while3A = arith.constant 0 : i32
        %while3A_77 = arith.constant 0 : i32
        %while3A_78 = arith.constant 0 : i32
        %while3A_79 = arith.constant 0 : i32
        %while3A_80 = arith.constant 0 : i32
        "tpu.trace_stop"() : () -> ()
        %while3A_81 = arith.subi %mul3A_16, %while3A : i32
        %while3A_82 = arith.addi %while3A, %while3A_81 : i32
        %while3A_83 = arith.constant 1 : i32
        %while3A_84 = arith.divsi %while3A_81, %while3A_83 : i32
        %while3A_85 = arith.muli %while3A_84, %while3A_83 : i32
        %while3A_86 = arith.addi %while3A, %while3A_85 : i32
        %while3A_87 = arith.constant 1 : i32
        %while3A_88:5 = scf.for %while3A_142 = %while3A to %while3A_86 step %while3A_87 iter_args(%while3A_143 = %select_n3A_76, %while3A_144 = %while3A_77, %while3A_145 = %while3A_78, %while3A_146 = %while3A_79, %while3A_147 = %while3A_80) -> (i32, i32, i32, i32, i32)  : i32 {
          %mul3A_148 = arith.constant 1 : i32
          %mul3A_149 = arith.muli %mul3A_148, %select_n3A : i32
          %eq3A_150 = arith.constant 0 : i32
          %eq3A_151 = arith.cmpi eq, %while3A_142, %eq3A_150 : i32
          %sub3A_152 = arith.constant 1 : i32
          %sub3A_153 = arith.subi %mul3A_149, %sub3A_152 : i32
          %eq3A_154 = arith.cmpi eq, %while3A_142, %sub3A_153 : i32
          %add3A_155 = arith.addi %while3A_147, %select_n3A_14 : i32
          %sub3A_156 = arith.constant 1 : i32
          %sub3A_157 = arith.subi %while3A_147, %sub3A_156 : i32
          %select_n3A_158 = arith.constant true
          %select_n3A_159 = arith.select %select_n3A_158, %sub3A_157, %while3A_147 : i32
          %eq3A_160 = arith.constant -1 : i32
          %eq3A_161 = arith.cmpi eq, %select_n3A_159, %eq3A_160 : i32
          %sub3A_162 = arith.constant 1 : i32
          %sub3A_163 = arith.subi %select_n3A, %sub3A_162 : i32
          %select_n3A_164 = arith.select %eq3A_161, %sub3A_163, %select_n3A_159 : i32
          %add3A_165 = arith.addi %select_n3A_164, %select_n3A_14 : i32
          %add3A_166 = arith.constant 1 : i32
          %add3A_167 = arith.addi %while3A_147, %add3A_166 : i32
          %select_n3A_168 = arith.constant true
          %select_n3A_169 = arith.select %select_n3A_168, %add3A_167, %while3A_147 : i32
          %eq3A_170 = arith.cmpi eq, %select_n3A_169, %select_n3A : i32
          %select_n3A_171 = arith.constant 0 : i32
          %select_n3A_172 = arith.select %eq3A_170, %select_n3A_171, %select_n3A_169 : i32
          %add3A_173 = arith.addi %select_n3A_172, %select_n3A_14 : i32
          %add3A_174 = arith.constant 1 : i32
          %add3A_175 = arith.addi %select_n3A_172, %add3A_174 : i32
          %select_n3A_176 = arith.constant true
          %select_n3A_177 = arith.select %select_n3A_176, %add3A_175, %select_n3A_172 : i32
          %eq3A_178 = arith.cmpi eq, %select_n3A_177, %select_n3A : i32
          %select_n3A_179 = arith.constant 0 : i32
          %select_n3A_180 = arith.select %eq3A_178, %select_n3A_179, %select_n3A_177 : i32
          %add3A_181 = arith.addi %select_n3A_180, %select_n3A_14 : i32
          %ne3A = arith.cmpi ne, %add3A_155, %add3A_173 : i32
          %or3A = arith.constant false
          %or3A_182 = arith.ori %or3A, %ne3A : i1
          %sub3A_183 = arith.constant 2 : i32
          %sub3A_184 = arith.subi %mul3A_149, %sub3A_183 : i32
          %add3A_185 = arith.constant 1 : i32
          %add3A_186 = arith.addi %sub3A_184, %add3A_185 : i32
          %ge3A = arith.cmpi sge, %while3A_142, %add3A_186 : i32
          %not3A = arith.constant true
          %not3A_187 = arith.xori %ge3A, %not3A : i1
          %and3A = arith.andi %or3A_182, %not3A_187 : i1
          %convert_element_type3A_188 = arith.extui %and3A : i1 to i32
          %cond3A_189 = arith.constant 0 : i32
          %cond3A_190 = arith.cmpi ne, %convert_element_type3A_188, %cond3A_189 : i32
          scf.if %cond3A_190 {
            "tpu.trace_start"() <{level = 10 : i32, message = "ep_copy_in"}> : () -> ()
            %rem3A_294 = arith.constant 2 : i32
            %rem3A_295 = arith.remui %while3A_143, %rem3A_294 : i32
            %mul3A_296 = arith.constant 1280 : i32
            %mul3A_297 = arith.muli %mul3A_296, %add3A_173 : i32
            %dma_start3A_298 = arith.constant 0 : i32
            %dma_start3A_299 = arith.constant 0 : i32
            %dma_start3A_300 = tpu.memref_slice %run_scoped3A[%rem3A_295, %dma_start3A_298, %dma_start3A_299] : memref<2x1x1280xi32, #tpu.memory_space<vmem>> -> memref<1x1x1280xi32, #tpu.memory_space<vmem>>
            %dma_start3A_301 = tpu.memref_squeeze %dma_start3A_300 : memref<1x1x1280xi32, #tpu.memory_space<vmem>> -> memref<1x1280xi32, #tpu.memory_space<vmem>>
            %dma_start3A_302 = arith.constant 0 : i32
            %dma_start3A_303 = tpu.memref_slice %arg3[%dma_start3A_302, %mul3A_297] : memref<1x800000xi32, #tpu.memory_space<hbm>> -> memref<1x1280xi32, #tpu.memory_space<hbm>>
            %dma_start3A_304 = tpu.memref_slice %run_scoped3A_17[%rem3A_295] : memref<2x!tpu.dma_semaphore, #tpu.memory_space<semaphore_mem>> -> memref<1x!tpu.dma_semaphore, #tpu.memory_space<semaphore_mem>>
            %dma_start3A_305 = tpu.memref_squeeze %dma_start3A_304 : memref<1x!tpu.dma_semaphore, #tpu.memory_space<semaphore_mem>> -> memref<!tpu.dma_semaphore, #tpu.memory_space<semaphore_mem>>
            %dma_start3A_306 = arith.constant 0 : i32
            %dma_start3A_307 = arith.constant 0 : i32
            %dma_start3A_308 = tpu.memref_slice %run_scoped3A[%rem3A_295, %dma_start3A_306, %dma_start3A_307] : memref<2x1x1280xi32, #tpu.memory_space<vmem>> -> memref<1x1x1280xi32, #tpu.memory_space<vmem>>
            %dma_start3A_309 = tpu.memref_squeeze %dma_start3A_308 : memref<1x1x1280xi32, #tpu.memory_space<vmem>> -> memref<1x1280xi32, #tpu.memory_space<vmem>>
            %dma_start3A_310 = arith.constant 0 : i32
            %dma_start3A_311 = tpu.memref_slice %arg3[%dma_start3A_310, %mul3A_297] : memref<1x800000xi32, #tpu.memory_space<hbm>> -> memref<1x1280xi32, #tpu.memory_space<hbm>>
            tpu.enqueue_dma source(%dma_start3A_311 : memref<1x1280xi32, #tpu.memory_space<hbm>>) target(%dma_start3A_309 : memref<1x1280xi32, #tpu.memory_space<vmem>>) target_semaphore(%dma_start3A_305 : memref<!tpu.dma_semaphore, #tpu.memory_space<semaphore_mem>>)
            "tpu.trace_stop"() : () -> ()
          } else {
          }
          %and3A_191 = arith.constant true
          %and3A_192 = arith.andi %and3A, %and3A_191 : i1
          %add3A_193 = arith.constant 1 : i32
          %add3A_194 = arith.addi %while3A_143, %add3A_193 : i32
          %select_n3A_195 = arith.select %and3A_192, %add3A_194, %while3A_143 : i32
          %ne3A_196 = arith.cmpi ne, %add3A_155, %add3A_173 : i32
          %or3A_197 = arith.constant false
          %or3A_198 = arith.ori %or3A_197, %ne3A_196 : i1
          %or3A_199 = arith.constant false
          %or3A_200 = arith.ori %or3A_198, %or3A_199 : i1
          %sub3A_201 = arith.constant 2 : i32
          %sub3A_202 = arith.subi %mul3A_149, %sub3A_201 : i32
          %add3A_203 = arith.constant 1 : i32
          %add3A_204 = arith.addi %sub3A_202, %add3A_203 : i32
          %ge3A_205 = arith.cmpi sge, %while3A_142, %add3A_204 : i32
          %not3A_206 = arith.constant true
          %not3A_207 = arith.xori %ge3A_205, %not3A_206 : i1
          %and3A_208 = arith.andi %or3A_200, %not3A_207 : i1
          %ne3A_209 = arith.cmpi ne, %add3A_155, %add3A_165 : i32
          %or3A_210 = arith.constant false
          %or3A_211 = arith.ori %or3A_210, %ne3A_209 : i1
          %or3A_212 = arith.ori %or3A_211, %eq3A_151 : i1
          %convert_element_type3A_213 = arith.extui %or3A_212 : i1 to i32
          %cond3A_214 = arith.constant 0 : i32
          %cond3A_215 = arith.cmpi ne, %convert_element_type3A_213, %cond3A_214 : i32
          scf.if %cond3A_215 {
            "tpu.trace_start"() <{level = 10 : i32, message = "ep_wait_in"}> : () -> ()
            %mul3A_294 = arith.constant 1280 : i32
            %mul3A_295 = arith.muli %mul3A_294, %add3A_155 : i32
            %rem3A_296 = arith.constant 2 : i32
            %rem3A_297 = arith.remui %while3A_144, %rem3A_296 : i32
            %dma_wait3A = arith.constant 0 : i32
            %dma_wait3A_298 = arith.constant 0 : i32
            %dma_wait3A_299 = tpu.memref_slice %run_scoped3A[%rem3A_297, %dma_wait3A, %dma_wait3A_298] : memref<2x1x1280xi32, #tpu.memory_space<vmem>> -> memref<1x1x1280xi32, #tpu.memory_space<vmem>>
            %dma_wait3A_300 = tpu.memref_squeeze %dma_wait3A_299 : memref<1x1x1280xi32, #tpu.memory_space<vmem>> -> memref<1x1280xi32, #tpu.memory_space<vmem>>
            %dma_wait3A_301 = arith.constant 0 : i32
            %dma_wait3A_302 = tpu.memref_slice %arg3[%dma_wait3A_301, %mul3A_295] : memref<1x800000xi32, #tpu.memory_space<hbm>> -> memref<1x1280xi32, #tpu.memory_space<hbm>>
            %dma_wait3A_303 = tpu.memref_slice %run_scoped3A_17[%rem3A_297] : memref<2x!tpu.dma_semaphore, #tpu.memory_space<semaphore_mem>> -> memref<1x!tpu.dma_semaphore, #tpu.memory_space<semaphore_mem>>
            %dma_wait3A_304 = tpu.memref_squeeze %dma_wait3A_303 : memref<1x!tpu.dma_semaphore, #tpu.memory_space<semaphore_mem>> -> memref<!tpu.dma_semaphore, #tpu.memory_space<semaphore_mem>>
            %dma_wait3A_305 = arith.constant 0 : i32
            %dma_wait3A_306 = arith.constant 0 : i32
            %dma_wait3A_307 = tpu.memref_slice %run_scoped3A[%rem3A_297, %dma_wait3A_305, %dma_wait3A_306] : memref<2x1x1280xi32, #tpu.memory_space<vmem>> -> memref<1x1x1280xi32, #tpu.memory_space<vmem>>
            %dma_wait3A_308 = tpu.memref_squeeze %dma_wait3A_307 : memref<1x1x1280xi32, #tpu.memory_space<vmem>> -> memref<1x1280xi32, #tpu.memory_space<vmem>>
            %dma_wait3A_309 = arith.constant 0 : i32
            %dma_wait3A_310 = tpu.memref_slice %arg3[%dma_wait3A_309, %mul3A_295] : memref<1x800000xi32, #tpu.memory_space<hbm>> -> memref<1x1280xi32, #tpu.memory_space<hbm>>
            tpu.wait_dma2 semaphore(%dma_wait3A_304 : memref<!tpu.dma_semaphore, #tpu.memory_space<semaphore_mem>>) src(%dma_wait3A_310 : memref<1x1280xi32, #tpu.memory_space<hbm>>) dst(%dma_wait3A_308 : memref<1x1280xi32, #tpu.memory_space<vmem>>)
            "tpu.trace_stop"() : () -> ()
          } else {
          }
          %ne3A_216 = arith.cmpi ne, %add3A_155, %add3A_165 : i32
          %or3A_217 = arith.constant false
          %or3A_218 = arith.ori %or3A_217, %ne3A_216 : i1
          %or3A_219 = arith.constant false
          %or3A_220 = arith.ori %or3A_218, %or3A_219 : i1
          %or3A_221 = arith.ori %or3A_220, %eq3A_151 : i1
          %convert_element_type3A_222 = arith.extui %or3A_221 : i1 to i32
          %cond3A_223 = arith.constant 0 : i32
          %cond3A_224 = arith.cmpi ne, %convert_element_type3A_222, %cond3A_223 : i32
          scf.if %cond3A_224 {
          } else {
          }
          %rem3A_225 = arith.constant 2 : i32
          %rem3A_226 = arith.remui %while3A_144, %rem3A_225 : i32
          %rem3A_227 = arith.constant 2 : i32
          %rem3A_228 = arith.remui %while3A_145, %rem3A_227 : i32
          %run_scoped3A_229 = arith.constant 0 : i32
          "tpu.trace_start"() <{level = 10 : i32, message = "ep_run_kernel"}> : () -> ()
          "tpu.region"() ({
            %run_scoped3A_294 = tpu.sem_alloc : memref<!tpu.dma_semaphore, #tpu.memory_space<semaphore_mem>>
            %dma_start3A_295 = arith.constant 0 : i32
            %dma_start3A_296 = arith.constant 0 : i32
            %dma_start3A_297 = tpu.memref_slice %run_scoped3A_18[%rem3A_228, %dma_start3A_295, %dma_start3A_296] : memref<2x1280x16xf32, #tpu.memory_space<vmem>> -> memref<1x1280x16xf32, #tpu.memory_space<vmem>>
            %dma_start3A_298 = tpu.memref_squeeze %dma_start3A_297 : memref<1x1280x16xf32, #tpu.memory_space<vmem>> -> memref<1280x16xf32, #tpu.memory_space<vmem>>
            %dma_start3A_299 = arith.constant 0 : i32
            %dma_start3A_300 = arith.constant 0 : i32
            %dma_start3A_301 = tpu.memref_slice %run_scoped3A[%rem3A_226, %dma_start3A_299, %dma_start3A_300] : memref<2x1x1280xi32, #tpu.memory_space<vmem>> -> memref<1x1x1280xi32, #tpu.memory_space<vmem>>
            %dma_start3A_302 = tpu.memref_squeeze %dma_start3A_301 : memref<1x1x1280xi32, #tpu.memory_space<vmem>> -> memref<1x1280xi32, #tpu.memory_space<vmem>>
            %dma_start3A_303 = arith.constant 0 : i32
            %dma_start3A_304 = tpu.memref_slice %dma_start3A_302[%run_scoped3A_229, %dma_start3A_303] : memref<1x1280xi32, #tpu.memory_space<vmem>> -> memref<1x1280xi32, #tpu.memory_space<vmem>>
            %dma_start3A_305 = tpu.memref_squeeze %dma_start3A_304 : memref<1x1280xi32, #tpu.memory_space<vmem>> -> memref<1280xi32, #tpu.memory_space<vmem>>
            %dma_start3A_306 = arith.constant 0 : i32
            %dma_start3A_307 = arith.constant 0 : i32
            %dma_start3A_308 = tpu.memref_slice %arg2[%dma_start3A_306, %dma_start3A_307] : memref<50000x16xf32, #tpu.memory_space<hbm>> -> memref<50000x16xf32, #tpu.memory_space<hbm>>
            tpu.enqueue_indirect_dma source(%dma_start3A_308 : memref<50000x16xf32, #tpu.memory_space<hbm>>) target(%dma_start3A_298 : memref<1280x16xf32, #tpu.memory_space<vmem>>) offsets(%dma_start3A_305 : memref<1280xi32, #tpu.memory_space<vmem>>) semaphore(%run_scoped3A_294 : memref<!tpu.dma_semaphore, #tpu.memory_space<semaphore_mem>>)
            %dma_wait3A = arith.constant 0 : i32
            %dma_wait3A_309 = arith.constant 0 : i32
            %dma_wait3A_310 = tpu.memref_slice %run_scoped3A_18[%rem3A_228, %dma_wait3A, %dma_wait3A_309] : memref<2x1280x16xf32, #tpu.memory_space<vmem>> -> memref<1x1280x16xf32, #tpu.memory_space<vmem>>
            %dma_wait3A_311 = tpu.memref_squeeze %dma_wait3A_310 : memref<1x1280x16xf32, #tpu.memory_space<vmem>> -> memref<1280x16xf32, #tpu.memory_space<vmem>>
            %dma_wait3A_312 = arith.constant 0 : i32
            %dma_wait3A_313 = arith.constant 0 : i32
            %dma_wait3A_314 = tpu.memref_slice %run_scoped3A[%rem3A_226, %dma_wait3A_312, %dma_wait3A_313] : memref<2x1x1280xi32, #tpu.memory_space<vmem>> -> memref<1x1x1280xi32, #tpu.memory_space<vmem>>
            %dma_wait3A_315 = tpu.memref_squeeze %dma_wait3A_314 : memref<1x1x1280xi32, #tpu.memory_space<vmem>> -> memref<1x1280xi32, #tpu.memory_space<vmem>>
            %dma_wait3A_316 = arith.constant 0 : i32
            %dma_wait3A_317 = tpu.memref_slice %dma_wait3A_315[%run_scoped3A_229, %dma_wait3A_316] : memref<1x1280xi32, #tpu.memory_space<vmem>> -> memref<1x1280xi32, #tpu.memory_space<vmem>>
            %dma_wait3A_318 = tpu.memref_squeeze %dma_wait3A_317 : memref<1x1280xi32, #tpu.memory_space<vmem>> -> memref<1280xi32, #tpu.memory_space<vmem>>
            %dma_wait3A_319 = arith.constant 0 : i32
            %dma_wait3A_320 = arith.constant 0 : i32
            %dma_wait3A_321 = tpu.memref_slice %arg2[%dma_wait3A_319, %dma_wait3A_320] : memref<50000x16xf32, #tpu.memory_space<hbm>> -> memref<50000x16xf32, #tpu.memory_space<hbm>>
            tpu.wait_indirect_dma semaphore(%run_scoped3A_294 : memref<!tpu.dma_semaphore, #tpu.memory_space<semaphore_mem>>) src(%dma_wait3A_321 : memref<50000x16xf32, #tpu.memory_space<hbm>>) dst(%dma_wait3A_311 : memref<1280x16xf32, #tpu.memory_space<vmem>>)
            tpu.yield
          }) : () -> ()
          "tpu.trace_stop"() : () -> ()
          %ne3A_230 = arith.cmpi ne, %add3A_155, %add3A_173 : i32
          %or3A_231 = arith.constant false
          %or3A_232 = arith.ori %or3A_231, %ne3A_230 : i1
          %or3A_233 = arith.ori %or3A_232, %eq3A_154 : i1
          %convert_element_type3A_234 = arith.extui %or3A_233 : i1 to i32
          %cond3A_235 = arith.constant 0 : i32
          %cond3A_236 = arith.cmpi ne, %convert_element_type3A_234, %cond3A_235 : i32
          scf.if %cond3A_236 {
          } else {
          }
          %and3A_237 = arith.constant false
          %and3A_238 = arith.andi %or3A_233, %and3A_237 : i1
          %ne3A_239 = arith.cmpi ne, %add3A_155, %add3A_173 : i32
          %or3A_240 = arith.constant false
          %or3A_241 = arith.ori %or3A_240, %ne3A_239 : i1
          %or3A_242 = arith.constant false
          %or3A_243 = arith.ori %or3A_241, %or3A_242 : i1
          %or3A_244 = arith.ori %or3A_243, %eq3A_154 : i1
          %convert_element_type3A_245 = arith.extui %or3A_244 : i1 to i32
          %cond3A_246 = arith.constant 0 : i32
          %cond3A_247 = arith.cmpi ne, %convert_element_type3A_245, %cond3A_246 : i32
          scf.if %cond3A_247 {
            "tpu.trace_start"() <{level = 10 : i32, message = "ep_copy_out"}> : () -> ()
            %rem3A_294 = arith.constant 2 : i32
            %rem3A_295 = arith.remui %while3A_145, %rem3A_294 : i32
            %mul3A_296 = arith.constant 1280 : i32
            %mul3A_297 = arith.muli %mul3A_296, %add3A_155 : i32
            %dma_start3A_298 = arith.constant 0 : i32
            %dma_start3A_299 = arith.constant 0 : i32
            %dma_start3A_300 = tpu.memref_slice %run_scoped3A_18[%rem3A_295, %dma_start3A_298, %dma_start3A_299] : memref<2x1280x16xf32, #tpu.memory_space<vmem>> -> memref<1x1280x16xf32, #tpu.memory_space<vmem>>
            %dma_start3A_301 = tpu.memref_squeeze %dma_start3A_300 : memref<1x1280x16xf32, #tpu.memory_space<vmem>> -> memref<1280x16xf32, #tpu.memory_space<vmem>>
            %dma_start3A_302 = arith.constant 0 : i32
            %dma_start3A_303 = tpu.memref_slice %arg4[%mul3A_297, %dma_start3A_302] : memref<800000x16xf32, #tpu.memory_space<hbm>> -> memref<1280x16xf32, #tpu.memory_space<hbm>>
            %dma_start3A_304 = tpu.memref_slice %run_scoped3A_19[%rem3A_295] : memref<2x!tpu.dma_semaphore, #tpu.memory_space<semaphore_mem>> -> memref<1x!tpu.dma_semaphore, #tpu.memory_space<semaphore_mem>>
            %dma_start3A_305 = tpu.memref_squeeze %dma_start3A_304 : memref<1x!tpu.dma_semaphore, #tpu.memory_space<semaphore_mem>> -> memref<!tpu.dma_semaphore, #tpu.memory_space<semaphore_mem>>
            %dma_start3A_306 = arith.constant 0 : i32
            %dma_start3A_307 = tpu.memref_slice %arg4[%mul3A_297, %dma_start3A_306] : memref<800000x16xf32, #tpu.memory_space<hbm>> -> memref<1280x16xf32, #tpu.memory_space<hbm>>
            %dma_start3A_308 = arith.constant 0 : i32
            %dma_start3A_309 = arith.constant 0 : i32
            %dma_start3A_310 = tpu.memref_slice %run_scoped3A_18[%rem3A_295, %dma_start3A_308, %dma_start3A_309] : memref<2x1280x16xf32, #tpu.memory_space<vmem>> -> memref<1x1280x16xf32, #tpu.memory_space<vmem>>
            %dma_start3A_311 = tpu.memref_squeeze %dma_start3A_310 : memref<1x1280x16xf32, #tpu.memory_space<vmem>> -> memref<1280x16xf32, #tpu.memory_space<vmem>>
            tpu.enqueue_dma source(%dma_start3A_311 : memref<1280x16xf32, #tpu.memory_space<vmem>>) target(%dma_start3A_307 : memref<1280x16xf32, #tpu.memory_space<hbm>>) target_semaphore(%dma_start3A_305 : memref<!tpu.dma_semaphore, #tpu.memory_space<semaphore_mem>>)
            "tpu.trace_stop"() : () -> ()
          } else {
          }
          %and3A_248 = arith.constant true
          %and3A_249 = arith.andi %or3A_244, %and3A_248 : i1
          %add3A_250 = arith.constant 1 : i32
          %add3A_251 = arith.addi %while3A_145, %add3A_250 : i32
          %select_n3A_252 = arith.select %and3A_249, %add3A_251, %while3A_145 : i32
          %ne3A_253 = arith.cmpi ne, %add3A_155, %add3A_165 : i32
          %or3A_254 = arith.constant false
          %or3A_255 = arith.ori %or3A_254, %ne3A_253 : i1
          %not3A_256 = arith.constant true
          %not3A_257 = arith.xori %eq3A_151, %not3A_256 : i1
          %and3A_258 = arith.andi %or3A_255, %not3A_257 : i1
          %convert_element_type3A_259 = arith.extui %and3A_258 : i1 to i32
          %cond3A_260 = arith.constant 0 : i32
          %cond3A_261 = arith.cmpi ne, %convert_element_type3A_259, %cond3A_260 : i32
          scf.if %cond3A_261 {
          } else {
          }
          %and3A_262 = arith.constant false
          %and3A_263 = arith.andi %and3A_258, %and3A_262 : i1
          %ne3A_264 = arith.cmpi ne, %add3A_155, %add3A_165 : i32
          %or3A_265 = arith.constant false
          %or3A_266 = arith.ori %or3A_265, %ne3A_264 : i1
          %or3A_267 = arith.constant false
          %or3A_268 = arith.ori %or3A_266, %or3A_267 : i1
          %not3A_269 = arith.constant true
          %not3A_270 = arith.xori %eq3A_151, %not3A_269 : i1
          %and3A_271 = arith.andi %or3A_268, %not3A_270 : i1
          %convert_element_type3A_272 = arith.extui %and3A_271 : i1 to i32
          %cond3A_273 = arith.constant 0 : i32
          %cond3A_274 = arith.cmpi ne, %convert_element_type3A_272, %cond3A_273 : i32
          scf.if %cond3A_274 {
            "tpu.trace_start"() <{level = 10 : i32, message = "ep_wait_out"}> : () -> ()
            %rem3A_294 = arith.constant 2 : i32
            %rem3A_295 = arith.remui %while3A_146, %rem3A_294 : i32
            %mul3A_296 = arith.constant 1280 : i32
            %mul3A_297 = arith.muli %mul3A_296, %add3A_165 : i32
            %dma_wait3A = arith.constant 0 : i32
            %dma_wait3A_298 = arith.constant 0 : i32
            %dma_wait3A_299 = tpu.memref_slice %run_scoped3A_18[%rem3A_295, %dma_wait3A, %dma_wait3A_298] : memref<2x1280x16xf32, #tpu.memory_space<vmem>> -> memref<1x1280x16xf32, #tpu.memory_space<vmem>>
            %dma_wait3A_300 = tpu.memref_squeeze %dma_wait3A_299 : memref<1x1280x16xf32, #tpu.memory_space<vmem>> -> memref<1280x16xf32, #tpu.memory_space<vmem>>
            %dma_wait3A_301 = arith.constant 0 : i32
            %dma_wait3A_302 = tpu.memref_slice %arg4[%mul3A_297, %dma_wait3A_301] : memref<800000x16xf32, #tpu.memory_space<hbm>> -> memref<1280x16xf32, #tpu.memory_space<hbm>>
            %dma_wait3A_303 = tpu.memref_slice %run_scoped3A_19[%rem3A_295] : memref<2x!tpu.dma_semaphore, #tpu.memory_space<semaphore_mem>> -> memref<1x!tpu.dma_semaphore, #tpu.memory_space<semaphore_mem>>
            %dma_wait3A_304 = tpu.memref_squeeze %dma_wait3A_303 : memref<1x!tpu.dma_semaphore, #tpu.memory_space<semaphore_mem>> -> memref<!tpu.dma_semaphore, #tpu.memory_space<semaphore_mem>>
            %dma_wait3A_305 = arith.constant 0 : i32
            %dma_wait3A_306 = tpu.memref_slice %arg4[%mul3A_297, %dma_wait3A_305] : memref<800000x16xf32, #tpu.memory_space<hbm>> -> memref<1280x16xf32, #tpu.memory_space<hbm>>
            %dma_wait3A_307 = arith.constant 0 : i32
            %dma_wait3A_308 = arith.constant 0 : i32
            %dma_wait3A_309 = tpu.memref_slice %run_scoped3A_18[%rem3A_295, %dma_wait3A_307, %dma_wait3A_308] : memref<2x1280x16xf32, #tpu.memory_space<vmem>> -> memref<1x1280x16xf32, #tpu.memory_space<vmem>>
            %dma_wait3A_310 = tpu.memref_squeeze %dma_wait3A_309 : memref<1x1280x16xf32, #tpu.memory_space<vmem>> -> memref<1280x16xf32, #tpu.memory_space<vmem>>
            tpu.wait_dma2 semaphore(%dma_wait3A_304 : memref<!tpu.dma_semaphore, #tpu.memory_space<semaphore_mem>>) src(%dma_wait3A_310 : memref<1280x16xf32, #tpu.memory_space<vmem>>) dst(%dma_wait3A_306 : memref<1280x16xf32, #tpu.memory_space<hbm>>)
            "tpu.trace_stop"() : () -> ()
          } else {
          }
          %and3A_275 = arith.constant true
          %and3A_276 = arith.andi %and3A_271, %and3A_275 : i1
          %add3A_277 = arith.constant 1 : i32
          %add3A_278 = arith.addi %while3A_146, %add3A_277 : i32
          %select_n3A_279 = arith.select %and3A_276, %add3A_278, %while3A_146 : i32
          %ne3A_280 = arith.cmpi ne, %add3A_155, %add3A_173 : i32
          %or3A_281 = arith.constant false
          %or3A_282 = arith.ori %or3A_281, %ne3A_280 : i1
          %or3A_283 = arith.ori %or3A_282, %eq3A_154 : i1
          %add3A_284 = arith.constant 1 : i32
          %add3A_285 = arith.addi %while3A_144, %add3A_284 : i32
          %select_n3A_286 = arith.select %or3A_283, %add3A_285, %while3A_144 : i32
          %add3A_287 = arith.constant 1 : i32
          %add3A_288 = arith.addi %while3A_147, %add3A_287 : i32
          %select_n3A_289 = arith.constant true
          %select_n3A_290 = arith.select %select_n3A_289, %add3A_288, %while3A_147 : i32
          %eq3A_291 = arith.cmpi eq, %select_n3A_290, %select_n3A : i32
          %select_n3A_292 = arith.constant 0 : i32
          %select_n3A_293 = arith.select %eq3A_291, %select_n3A_292, %select_n3A_290 : i32
          scf.yield %select_n3A_195, %select_n3A_286, %select_n3A_252, %select_n3A_279, %select_n3A_293 : i32, i32, i32, i32, i32
        }
        %while3A_89 = arith.constant 1 : i32
        %while3A_90:5 = scf.for %while3A_142 = %while3A_86 to %while3A_82 step %while3A_89 iter_args(%while3A_143 = %while3A_88#0, %while3A_144 = %while3A_88#1, %while3A_145 = %while3A_88#2, %while3A_146 = %while3A_88#3, %while3A_147 = %while3A_88#4) -> (i32, i32, i32, i32, i32)  : i32 {
          %mul3A_148 = arith.constant 1 : i32
          %mul3A_149 = arith.muli %mul3A_148, %select_n3A : i32
          %eq3A_150 = arith.constant 0 : i32
          %eq3A_151 = arith.cmpi eq, %while3A_142, %eq3A_150 : i32
          %sub3A_152 = arith.constant 1 : i32
          %sub3A_153 = arith.subi %mul3A_149, %sub3A_152 : i32
          %eq3A_154 = arith.cmpi eq, %while3A_142, %sub3A_153 : i32
          %add3A_155 = arith.addi %while3A_147, %select_n3A_14 : i32
          %sub3A_156 = arith.constant 1 : i32
          %sub3A_157 = arith.subi %while3A_147, %sub3A_156 : i32
          %select_n3A_158 = arith.constant true
          %select_n3A_159 = arith.select %select_n3A_158, %sub3A_157, %while3A_147 : i32
          %eq3A_160 = arith.constant -1 : i32
          %eq3A_161 = arith.cmpi eq, %select_n3A_159, %eq3A_160 : i32
          %sub3A_162 = arith.constant 1 : i32
          %sub3A_163 = arith.subi %select_n3A, %sub3A_162 : i32
          %select_n3A_164 = arith.select %eq3A_161, %sub3A_163, %select_n3A_159 : i32
          %add3A_165 = arith.addi %select_n3A_164, %select_n3A_14 : i32
          %add3A_166 = arith.constant 1 : i32
          %add3A_167 = arith.addi %while3A_147, %add3A_166 : i32
          %select_n3A_168 = arith.constant true
          %select_n3A_169 = arith.select %select_n3A_168, %add3A_167, %while3A_147 : i32
          %eq3A_170 = arith.cmpi eq, %select_n3A_169, %select_n3A : i32
          %select_n3A_171 = arith.constant 0 : i32
          %select_n3A_172 = arith.select %eq3A_170, %select_n3A_171, %select_n3A_169 : i32
          %add3A_173 = arith.addi %select_n3A_172, %select_n3A_14 : i32
          %add3A_174 = arith.constant 1 : i32
          %add3A_175 = arith.addi %select_n3A_172, %add3A_174 : i32
          %select_n3A_176 = arith.constant true
          %select_n3A_177 = arith.select %select_n3A_176, %add3A_175, %select_n3A_172 : i32
          %eq3A_178 = arith.cmpi eq, %select_n3A_177, %select_n3A : i32
          %select_n3A_179 = arith.constant 0 : i32
          %select_n3A_180 = arith.select %eq3A_178, %select_n3A_179, %select_n3A_177 : i32
          %add3A_181 = arith.addi %select_n3A_180, %select_n3A_14 : i32
          %ne3A = arith.cmpi ne, %add3A_155, %add3A_173 : i32
          %or3A = arith.constant false
          %or3A_182 = arith.ori %or3A, %ne3A : i1
          %sub3A_183 = arith.constant 2 : i32
          %sub3A_184 = arith.subi %mul3A_149, %sub3A_183 : i32
          %add3A_185 = arith.constant 1 : i32
          %add3A_186 = arith.addi %sub3A_184, %add3A_185 : i32
          %ge3A = arith.cmpi sge, %while3A_142, %add3A_186 : i32
          %not3A = arith.constant true
          %not3A_187 = arith.xori %ge3A, %not3A : i1
          %and3A = arith.andi %or3A_182, %not3A_187 : i1
          %convert_element_type3A_188 = arith.extui %and3A : i1 to i32
          %cond3A_189 = arith.constant 0 : i32
          %cond3A_190 = arith.cmpi ne, %convert_element_type3A_188, %cond3A_189 : i32
          scf.if %cond3A_190 {
            "tpu.trace_start"() <{level = 10 : i32, message = "ep_copy_in"}> : () -> ()
            %rem3A_294 = arith.constant 2 : i32
            %rem3A_295 = arith.remui %while3A_143, %rem3A_294 : i32
            %mul3A_296 = arith.constant 1280 : i32
            %mul3A_297 = arith.muli %mul3A_296, %add3A_173 : i32
            %dma_start3A_298 = arith.constant 0 : i32
            %dma_start3A_299 = arith.constant 0 : i32
            %dma_start3A_300 = tpu.memref_slice %run_scoped3A[%rem3A_295, %dma_start3A_298, %dma_start3A_299] : memref<2x1x1280xi32, #tpu.memory_space<vmem>> -> memref<1x1x1280xi32, #tpu.memory_space<vmem>>
            %dma_start3A_301 = tpu.memref_squeeze %dma_start3A_300 : memref<1x1x1280xi32, #tpu.memory_space<vmem>> -> memref<1x1280xi32, #tpu.memory_space<vmem>>
            %dma_start3A_302 = arith.constant 0 : i32
            %dma_start3A_303 = tpu.memref_slice %arg3[%dma_start3A_302, %mul3A_297] : memref<1x800000xi32, #tpu.memory_space<hbm>> -> memref<1x1280xi32, #tpu.memory_space<hbm>>
            %dma_start3A_304 = tpu.memref_slice %run_scoped3A_17[%rem3A_295] : memref<2x!tpu.dma_semaphore, #tpu.memory_space<semaphore_mem>> -> memref<1x!tpu.dma_semaphore, #tpu.memory_space<semaphore_mem>>
            %dma_start3A_305 = tpu.memref_squeeze %dma_start3A_304 : memref<1x!tpu.dma_semaphore, #tpu.memory_space<semaphore_mem>> -> memref<!tpu.dma_semaphore, #tpu.memory_space<semaphore_mem>>
            %dma_start3A_306 = arith.constant 0 : i32
            %dma_start3A_307 = arith.constant 0 : i32
            %dma_start3A_308 = tpu.memref_slice %run_scoped3A[%rem3A_295, %dma_start3A_306, %dma_start3A_307] : memref<2x1x1280xi32, #tpu.memory_space<vmem>> -> memref<1x1x1280xi32, #tpu.memory_space<vmem>>
            %dma_start3A_309 = tpu.memref_squeeze %dma_start3A_308 : memref<1x1x1280xi32, #tpu.memory_space<vmem>> -> memref<1x1280xi32, #tpu.memory_space<vmem>>
            %dma_start3A_310 = arith.constant 0 : i32
            %dma_start3A_311 = tpu.memref_slice %arg3[%dma_start3A_310, %mul3A_297] : memref<1x800000xi32, #tpu.memory_space<hbm>> -> memref<1x1280xi32, #tpu.memory_space<hbm>>
            tpu.enqueue_dma source(%dma_start3A_311 : memref<1x1280xi32, #tpu.memory_space<hbm>>) target(%dma_start3A_309 : memref<1x1280xi32, #tpu.memory_space<vmem>>) target_semaphore(%dma_start3A_305 : memref<!tpu.dma_semaphore, #tpu.memory_space<semaphore_mem>>)
            "tpu.trace_stop"() : () -> ()
          } else {
          }
          %and3A_191 = arith.constant true
          %and3A_192 = arith.andi %and3A, %and3A_191 : i1
          %add3A_193 = arith.constant 1 : i32
          %add3A_194 = arith.addi %while3A_143, %add3A_193 : i32
          %select_n3A_195 = arith.select %and3A_192, %add3A_194, %while3A_143 : i32
          %ne3A_196 = arith.cmpi ne, %add3A_155, %add3A_173 : i32
          %or3A_197 = arith.constant false
          %or3A_198 = arith.ori %or3A_197, %ne3A_196 : i1
          %or3A_199 = arith.constant false
          %or3A_200 = arith.ori %or3A_198, %or3A_199 : i1
          %sub3A_201 = arith.constant 2 : i32
          %sub3A_202 = arith.subi %mul3A_149, %sub3A_201 : i32
          %add3A_203 = arith.constant 1 : i32
          %add3A_204 = arith.addi %sub3A_202, %add3A_203 : i32
          %ge3A_205 = arith.cmpi sge, %while3A_142, %add3A_204 : i32
          %not3A_206 = arith.constant true
          %not3A_207 = arith.xori %ge3A_205, %not3A_206 : i1
          %and3A_208 = arith.andi %or3A_200, %not3A_207 : i1
          %ne3A_209 = arith.cmpi ne, %add3A_155, %add3A_165 : i32
          %or3A_210 = arith.constant false
          %or3A_211 = arith.ori %or3A_210, %ne3A_209 : i1
          %or3A_212 = arith.ori %or3A_211, %eq3A_151 : i1
          %convert_element_type3A_213 = arith.extui %or3A_212 : i1 to i32
          %cond3A_214 = arith.constant 0 : i32
          %cond3A_215 = arith.cmpi ne, %convert_element_type3A_213, %cond3A_214 : i32
          scf.if %cond3A_215 {
            "tpu.trace_start"() <{level = 10 : i32, message = "ep_wait_in"}> : () -> ()
            %mul3A_294 = arith.constant 1280 : i32
            %mul3A_295 = arith.muli %mul3A_294, %add3A_155 : i32
            %rem3A_296 = arith.constant 2 : i32
            %rem3A_297 = arith.remui %while3A_144, %rem3A_296 : i32
            %dma_wait3A = arith.constant 0 : i32
            %dma_wait3A_298 = arith.constant 0 : i32
            %dma_wait3A_299 = tpu.memref_slice %run_scoped3A[%rem3A_297, %dma_wait3A, %dma_wait3A_298] : memref<2x1x1280xi32, #tpu.memory_space<vmem>> -> memref<1x1x1280xi32, #tpu.memory_space<vmem>>
            %dma_wait3A_300 = tpu.memref_squeeze %dma_wait3A_299 : memref<1x1x1280xi32, #tpu.memory_space<vmem>> -> memref<1x1280xi32, #tpu.memory_space<vmem>>
            %dma_wait3A_301 = arith.constant 0 : i32
            %dma_wait3A_302 = tpu.memref_slice %arg3[%dma_wait3A_301, %mul3A_295] : memref<1x800000xi32, #tpu.memory_space<hbm>> -> memref<1x1280xi32, #tpu.memory_space<hbm>>
            %dma_wait3A_303 = tpu.memref_slice %run_scoped3A_17[%rem3A_297] : memref<2x!tpu.dma_semaphore, #tpu.memory_space<semaphore_mem>> -> memref<1x!tpu.dma_semaphore, #tpu.memory_space<semaphore_mem>>
            %dma_wait3A_304 = tpu.memref_squeeze %dma_wait3A_303 : memref<1x!tpu.dma_semaphore, #tpu.memory_space<semaphore_mem>> -> memref<!tpu.dma_semaphore, #tpu.memory_space<semaphore_mem>>
            %dma_wait3A_305 = arith.constant 0 : i32
            %dma_wait3A_306 = arith.constant 0 : i32
            %dma_wait3A_307 = tpu.memref_slice %run_scoped3A[%rem3A_297, %dma_wait3A_305, %dma_wait3A_306] : memref<2x1x1280xi32, #tpu.memory_space<vmem>> -> memref<1x1x1280xi32, #tpu.memory_space<vmem>>
            %dma_wait3A_308 = tpu.memref_squeeze %dma_wait3A_307 : memref<1x1x1280xi32, #tpu.memory_space<vmem>> -> memref<1x1280xi32, #tpu.memory_space<vmem>>
            %dma_wait3A_309 = arith.constant 0 : i32
            %dma_wait3A_310 = tpu.memref_slice %arg3[%dma_wait3A_309, %mul3A_295] : memref<1x800000xi32, #tpu.memory_space<hbm>> -> memref<1x1280xi32, #tpu.memory_space<hbm>>
            tpu.wait_dma2 semaphore(%dma_wait3A_304 : memref<!tpu.dma_semaphore, #tpu.memory_space<semaphore_mem>>) src(%dma_wait3A_310 : memref<1x1280xi32, #tpu.memory_space<hbm>>) dst(%dma_wait3A_308 : memref<1x1280xi32, #tpu.memory_space<vmem>>)
            "tpu.trace_stop"() : () -> ()
          } else {
          }
          %ne3A_216 = arith.cmpi ne, %add3A_155, %add3A_165 : i32
          %or3A_217 = arith.constant false
          %or3A_218 = arith.ori %or3A_217, %ne3A_216 : i1
          %or3A_219 = arith.constant false
          %or3A_220 = arith.ori %or3A_218, %or3A_219 : i1
          %or3A_221 = arith.ori %or3A_220, %eq3A_151 : i1
          %convert_element_type3A_222 = arith.extui %or3A_221 : i1 to i32
          %cond3A_223 = arith.constant 0 : i32
          %cond3A_224 = arith.cmpi ne, %convert_element_type3A_222, %cond3A_223 : i32
          scf.if %cond3A_224 {
          } else {
          }
          %rem3A_225 = arith.constant 2 : i32
          %rem3A_226 = arith.remui %while3A_144, %rem3A_225 : i32
          %rem3A_227 = arith.constant 2 : i32
          %rem3A_228 = arith.remui %while3A_145, %rem3A_227 : i32
          %run_scoped3A_229 = arith.constant 0 : i32
          "tpu.trace_start"() <{level = 10 : i32, message = "ep_run_kernel"}> : () -> ()
          "tpu.region"() ({
            %run_scoped3A_294 = tpu.sem_alloc : memref<!tpu.dma_semaphore, #tpu.memory_space<semaphore_mem>>
            %dma_start3A_295 = arith.constant 0 : i32
            %dma_start3A_296 = arith.constant 0 : i32
            %dma_start3A_297 = tpu.memref_slice %run_scoped3A_18[%rem3A_228, %dma_start3A_295, %dma_start3A_296] : memref<2x1280x16xf32, #tpu.memory_space<vmem>> -> memref<1x1280x16xf32, #tpu.memory_space<vmem>>
            %dma_start3A_298 = tpu.memref_squeeze %dma_start3A_297 : memref<1x1280x16xf32, #tpu.memory_space<vmem>> -> memref<1280x16xf32, #tpu.memory_space<vmem>>
            %dma_start3A_299 = arith.constant 0 : i32
            %dma_start3A_300 = arith.constant 0 : i32
            %dma_start3A_301 = tpu.memref_slice %run_scoped3A[%rem3A_226, %dma_start3A_299, %dma_start3A_300] : memref<2x1x1280xi32, #tpu.memory_space<vmem>> -> memref<1x1x1280xi32, #tpu.memory_space<vmem>>
            %dma_start3A_302 = tpu.memref_squeeze %dma_start3A_301 : memref<1x1x1280xi32, #tpu.memory_space<vmem>> -> memref<1x1280xi32, #tpu.memory_space<vmem>>
            %dma_start3A_303 = arith.constant 0 : i32
            %dma_start3A_304 = tpu.memref_slice %dma_start3A_302[%run_scoped3A_229, %dma_start3A_303] : memref<1x1280xi32, #tpu.memory_space<vmem>> -> memref<1x1280xi32, #tpu.memory_space<vmem>>
            %dma_start3A_305 = tpu.memref_squeeze %dma_start3A_304 : memref<1x1280xi32, #tpu.memory_space<vmem>> -> memref<1280xi32, #tpu.memory_space<vmem>>
            %dma_start3A_306 = arith.constant 0 : i32
            %dma_start3A_307 = arith.constant 0 : i32
            %dma_start3A_308 = tpu.memref_slice %arg2[%dma_start3A_306, %dma_start3A_307] : memref<50000x16xf32, #tpu.memory_space<hbm>> -> memref<50000x16xf32, #tpu.memory_space<hbm>>
            tpu.enqueue_indirect_dma source(%dma_start3A_308 : memref<50000x16xf32, #tpu.memory_space<hbm>>) target(%dma_start3A_298 : memref<1280x16xf32, #tpu.memory_space<vmem>>) offsets(%dma_start3A_305 : memref<1280xi32, #tpu.memory_space<vmem>>) semaphore(%run_scoped3A_294 : memref<!tpu.dma_semaphore, #tpu.memory_space<semaphore_mem>>)
            %dma_wait3A = arith.constant 0 : i32
            %dma_wait3A_309 = arith.constant 0 : i32
            %dma_wait3A_310 = tpu.memref_slice %run_scoped3A_18[%rem3A_228, %dma_wait3A, %dma_wait3A_309] : memref<2x1280x16xf32, #tpu.memory_space<vmem>> -> memref<1x1280x16xf32, #tpu.memory_space<vmem>>
            %dma_wait3A_311 = tpu.memref_squeeze %dma_wait3A_310 : memref<1x1280x16xf32, #tpu.memory_space<vmem>> -> memref<1280x16xf32, #tpu.memory_space<vmem>>
            %dma_wait3A_312 = arith.constant 0 : i32
            %dma_wait3A_313 = arith.constant 0 : i32
            %dma_wait3A_314 = tpu.memref_slice %run_scoped3A[%rem3A_226, %dma_wait3A_312, %dma_wait3A_313] : memref<2x1x1280xi32, #tpu.memory_space<vmem>> -> memref<1x1x1280xi32, #tpu.memory_space<vmem>>
            %dma_wait3A_315 = tpu.memref_squeeze %dma_wait3A_314 : memref<1x1x1280xi32, #tpu.memory_space<vmem>> -> memref<1x1280xi32, #tpu.memory_space<vmem>>
            %dma_wait3A_316 = arith.constant 0 : i32
            %dma_wait3A_317 = tpu.memref_slice %dma_wait3A_315[%run_scoped3A_229, %dma_wait3A_316] : memref<1x1280xi32, #tpu.memory_space<vmem>> -> memref<1x1280xi32, #tpu.memory_space<vmem>>
            %dma_wait3A_318 = tpu.memref_squeeze %dma_wait3A_317 : memref<1x1280xi32, #tpu.memory_space<vmem>> -> memref<1280xi32, #tpu.memory_space<vmem>>
            %dma_wait3A_319 = arith.constant 0 : i32
            %dma_wait3A_320 = arith.constant 0 : i32
            %dma_wait3A_321 = tpu.memref_slice %arg2[%dma_wait3A_319, %dma_wait3A_320] : memref<50000x16xf32, #tpu.memory_space<hbm>> -> memref<50000x16xf32, #tpu.memory_space<hbm>>
            tpu.wait_indirect_dma semaphore(%run_scoped3A_294 : memref<!tpu.dma_semaphore, #tpu.memory_space<semaphore_mem>>) src(%dma_wait3A_321 : memref<50000x16xf32, #tpu.memory_space<hbm>>) dst(%dma_wait3A_311 : memref<1280x16xf32, #tpu.memory_space<vmem>>)
            tpu.yield
          }) : () -> ()
          "tpu.trace_stop"() : () -> ()
          %ne3A_230 = arith.cmpi ne, %add3A_155, %add3A_173 : i32
          %or3A_231 = arith.constant false
          %or3A_232 = arith.ori %or3A_231, %ne3A_230 : i1
          %or3A_233 = arith.ori %or3A_232, %eq3A_154 : i1
          %convert_element_type3A_234 = arith.extui %or3A_233 : i1 to i32
          %cond3A_235 = arith.constant 0 : i32
          %cond3A_236 = arith.cmpi ne, %convert_element_type3A_234, %cond3A_235 : i32
          scf.if %cond3A_236 {
          } else {
          }
          %and3A_237 = arith.constant false
          %and3A_238 = arith.andi %or3A_233, %and3A_237 : i1
          %ne3A_239 = arith.cmpi ne, %add3A_155, %add3A_173 : i32
          %or3A_240 = arith.constant false
          %or3A_241 = arith.ori %or3A_240, %ne3A_239 : i1
          %or3A_242 = arith.constant false
          %or3A_243 = arith.ori %or3A_241, %or3A_242 : i1
          %or3A_244 = arith.ori %or3A_243, %eq3A_154 : i1
          %convert_element_type3A_245 = arith.extui %or3A_244 : i1 to i32
          %cond3A_246 = arith.constant 0 : i32
          %cond3A_247 = arith.cmpi ne, %convert_element_type3A_245, %cond3A_246 : i32
          scf.if %cond3A_247 {
            "tpu.trace_start"() <{level = 10 : i32, message = "ep_copy_out"}> : () -> ()
            %rem3A_294 = arith.constant 2 : i32
            %rem3A_295 = arith.remui %while3A_145, %rem3A_294 : i32
            %mul3A_296 = arith.constant 1280 : i32
            %mul3A_297 = arith.muli %mul3A_296, %add3A_155 : i32
            %dma_start3A_298 = arith.constant 0 : i32
            %dma_start3A_299 = arith.constant 0 : i32
            %dma_start3A_300 = tpu.memref_slice %run_scoped3A_18[%rem3A_295, %dma_start3A_298, %dma_start3A_299] : memref<2x1280x16xf32, #tpu.memory_space<vmem>> -> memref<1x1280x16xf32, #tpu.memory_space<vmem>>
            %dma_start3A_301 = tpu.memref_squeeze %dma_start3A_300 : memref<1x1280x16xf32, #tpu.memory_space<vmem>> -> memref<1280x16xf32, #tpu.memory_space<vmem>>
            %dma_start3A_302 = arith.constant 0 : i32
            %dma_start3A_303 = tpu.memref_slice %arg4[%mul3A_297, %dma_start3A_302] : memref<800000x16xf32, #tpu.memory_space<hbm>> -> memref<1280x16xf32, #tpu.memory_space<hbm>>
            %dma_start3A_304 = tpu.memref_slice %run_scoped3A_19[%rem3A_295] : memref<2x!tpu.dma_semaphore, #tpu.memory_space<semaphore_mem>> -> memref<1x!tpu.dma_semaphore, #tpu.memory_space<semaphore_mem>>
            %dma_start3A_305 = tpu.memref_squeeze %dma_start3A_304 : memref<1x!tpu.dma_semaphore, #tpu.memory_space<semaphore_mem>> -> memref<!tpu.dma_semaphore, #tpu.memory_space<semaphore_mem>>
            %dma_start3A_306 = arith.constant 0 : i32
            %dma_start3A_307 = tpu.memref_slice %arg4[%mul3A_297, %dma_start3A_306] : memref<800000x16xf32, #tpu.memory_space<hbm>> -> memref<1280x16xf32, #tpu.memory_space<hbm>>
            %dma_start3A_308 = arith.constant 0 : i32
            %dma_start3A_309 = arith.constant 0 : i32
            %dma_start3A_310 = tpu.memref_slice %run_scoped3A_18[%rem3A_295, %dma_start3A_308, %dma_start3A_309] : memref<2x1280x16xf32, #tpu.memory_space<vmem>> -> memref<1x1280x16xf32, #tpu.memory_space<vmem>>
            %dma_start3A_311 = tpu.memref_squeeze %dma_start3A_310 : memref<1x1280x16xf32, #tpu.memory_space<vmem>> -> memref<1280x16xf32, #tpu.memory_space<vmem>>
            tpu.enqueue_dma source(%dma_start3A_311 : memref<1280x16xf32, #tpu.memory_space<vmem>>) target(%dma_start3A_307 : memref<1280x16xf32, #tpu.memory_space<hbm>>) target_semaphore(%dma_start3A_305 : memref<!tpu.dma_semaphore, #tpu.memory_space<semaphore_mem>>)
            "tpu.trace_stop"() : () -> ()
          } else {
          }
          %and3A_248 = arith.constant true
          %and3A_249 = arith.andi %or3A_244, %and3A_248 : i1
          %add3A_250 = arith.constant 1 : i32
          %add3A_251 = arith.addi %while3A_145, %add3A_250 : i32
          %select_n3A_252 = arith.select %and3A_249, %add3A_251, %while3A_145 : i32
          %ne3A_253 = arith.cmpi ne, %add3A_155, %add3A_165 : i32
          %or3A_254 = arith.constant false
          %or3A_255 = arith.ori %or3A_254, %ne3A_253 : i1
          %not3A_256 = arith.constant true
          %not3A_257 = arith.xori %eq3A_151, %not3A_256 : i1
          %and3A_258 = arith.andi %or3A_255, %not3A_257 : i1
          %convert_element_type3A_259 = arith.extui %and3A_258 : i1 to i32
          %cond3A_260 = arith.constant 0 : i32
          %cond3A_261 = arith.cmpi ne, %convert_element_type3A_259, %cond3A_260 : i32
          scf.if %cond3A_261 {
          } else {
          }
          %and3A_262 = arith.constant false
          %and3A_263 = arith.andi %and3A_258, %and3A_262 : i1
          %ne3A_264 = arith.cmpi ne, %add3A_155, %add3A_165 : i32
          %or3A_265 = arith.constant false
          %or3A_266 = arith.ori %or3A_265, %ne3A_264 : i1
          %or3A_267 = arith.constant false
          %or3A_268 = arith.ori %or3A_266, %or3A_267 : i1
          %not3A_269 = arith.constant true
          %not3A_270 = arith.xori %eq3A_151, %not3A_269 : i1
          %and3A_271 = arith.andi %or3A_268, %not3A_270 : i1
          %convert_element_type3A_272 = arith.extui %and3A_271 : i1 to i32
          %cond3A_273 = arith.constant 0 : i32
          %cond3A_274 = arith.cmpi ne, %convert_element_type3A_272, %cond3A_273 : i32
          scf.if %cond3A_274 {
            "tpu.trace_start"() <{level = 10 : i32, message = "ep_wait_out"}> : () -> ()
            %rem3A_294 = arith.constant 2 : i32
            %rem3A_295 = arith.remui %while3A_146, %rem3A_294 : i32
            %mul3A_296 = arith.constant 1280 : i32
            %mul3A_297 = arith.muli %mul3A_296, %add3A_165 : i32
            %dma_wait3A = arith.constant 0 : i32
            %dma_wait3A_298 = arith.constant 0 : i32
            %dma_wait3A_299 = tpu.memref_slice %run_scoped3A_18[%rem3A_295, %dma_wait3A, %dma_wait3A_298] : memref<2x1280x16xf32, #tpu.memory_space<vmem>> -> memref<1x1280x16xf32, #tpu.memory_space<vmem>>
            %dma_wait3A_300 = tpu.memref_squeeze %dma_wait3A_299 : memref<1x1280x16xf32, #tpu.memory_space<vmem>> -> memref<1280x16xf32, #tpu.memory_space<vmem>>
            %dma_wait3A_301 = arith.constant 0 : i32
            %dma_wait3A_302 = tpu.memref_slice %arg4[%mul3A_297, %dma_wait3A_301] : memref<800000x16xf32, #tpu.memory_space<hbm>> -> memref<1280x16xf32, #tpu.memory_space<hbm>>
            %dma_wait3A_303 = tpu.memref_slice %run_scoped3A_19[%rem3A_295] : memref<2x!tpu.dma_semaphore, #tpu.memory_space<semaphore_mem>> -> memref<1x!tpu.dma_semaphore, #tpu.memory_space<semaphore_mem>>
            %dma_wait3A_304 = tpu.memref_squeeze %dma_wait3A_303 : memref<1x!tpu.dma_semaphore, #tpu.memory_space<semaphore_mem>> -> memref<!tpu.dma_semaphore, #tpu.memory_space<semaphore_mem>>
            %dma_wait3A_305 = arith.constant 0 : i32
            %dma_wait3A_306 = tpu.memref_slice %arg4[%mul3A_297, %dma_wait3A_305] : memref<800000x16xf32, #tpu.memory_space<hbm>> -> memref<1280x16xf32, #tpu.memory_space<hbm>>
            %dma_wait3A_307 = arith.constant 0 : i32
            %dma_wait3A_308 = arith.constant 0 : i32
            %dma_wait3A_309 = tpu.memref_slice %run_scoped3A_18[%rem3A_295, %dma_wait3A_307, %dma_wait3A_308] : memref<2x1280x16xf32, #tpu.memory_space<vmem>> -> memref<1x1280x16xf32, #tpu.memory_space<vmem>>
            %dma_wait3A_310 = tpu.memref_squeeze %dma_wait3A_309 : memref<1x1280x16xf32, #tpu.memory_space<vmem>> -> memref<1280x16xf32, #tpu.memory_space<vmem>>
            tpu.wait_dma2 semaphore(%dma_wait3A_304 : memref<!tpu.dma_semaphore, #tpu.memory_space<semaphore_mem>>) src(%dma_wait3A_310 : memref<1280x16xf32, #tpu.memory_space<vmem>>) dst(%dma_wait3A_306 : memref<1280x16xf32, #tpu.memory_space<hbm>>)
            "tpu.trace_stop"() : () -> ()
          } else {
          }
          %and3A_275 = arith.constant true
          %and3A_276 = arith.andi %and3A_271, %and3A_275 : i1
          %add3A_277 = arith.constant 1 : i32
          %add3A_278 = arith.addi %while3A_146, %add3A_277 : i32
          %select_n3A_279 = arith.select %and3A_276, %add3A_278, %while3A_146 : i32
          %ne3A_280 = arith.cmpi ne, %add3A_155, %add3A_173 : i32
          %or3A_281 = arith.constant false
          %or3A_282 = arith.ori %or3A_281, %ne3A_280 : i1
          %or3A_283 = arith.ori %or3A_282, %eq3A_154 : i1
          %add3A_284 = arith.constant 1 : i32
          %add3A_285 = arith.addi %while3A_144, %add3A_284 : i32
          %select_n3A_286 = arith.select %or3A_283, %add3A_285, %while3A_144 : i32
          %add3A_287 = arith.constant 1 : i32
          %add3A_288 = arith.addi %while3A_147, %add3A_287 : i32
          %select_n3A_289 = arith.constant true
          %select_n3A_290 = arith.select %select_n3A_289, %add3A_288, %while3A_147 : i32
          %eq3A_291 = arith.cmpi eq, %select_n3A_290, %select_n3A : i32
          %select_n3A_292 = arith.constant 0 : i32
          %select_n3A_293 = arith.select %eq3A_291, %select_n3A_292, %select_n3A_290 : i32
          scf.yield %select_n3A_195, %select_n3A_286, %select_n3A_252, %select_n3A_279, %select_n3A_293 : i32, i32, i32, i32, i32
        }
        %sub3A_91 = arith.constant 1 : i32
        %sub3A_92 = arith.subi %while3A_90#4, %sub3A_91 : i32
        %select_n3A_93 = arith.constant true
        %select_n3A_94 = arith.select %select_n3A_93, %sub3A_92, %while3A_90#4 : i32
        %eq3A_95 = arith.constant -1 : i32
        %eq3A_96 = arith.cmpi eq, %select_n3A_94, %eq3A_95 : i32
        %sub3A_97 = arith.constant 1 : i32
        %sub3A_98 = arith.subi %select_n3A, %sub3A_97 : i32
        %select_n3A_99 = arith.select %eq3A_96, %sub3A_98, %select_n3A_94 : i32
        %sub3A_100 = arith.constant 1 : i32
        %sub3A_101 = arith.subi %mul3A_16, %sub3A_100 : i32
        %mul3A_102 = arith.constant 1 : i32
        %mul3A_103 = arith.muli %mul3A_102, %select_n3A : i32
        %eq3A_104 = arith.constant 0 : i32
        %eq3A_105 = arith.cmpi eq, %sub3A_101, %eq3A_104 : i32
        %sub3A_106 = arith.constant 1 : i32
        %sub3A_107 = arith.subi %mul3A_103, %sub3A_106 : i32
        %eq3A_108 = arith.cmpi eq, %sub3A_101, %sub3A_107 : i32
        %add3A_109 = arith.addi %select_n3A_99, %select_n3A_14 : i32
        %sub3A_110 = arith.constant 1 : i32
        %sub3A_111 = arith.subi %select_n3A_99, %sub3A_110 : i32
        %select_n3A_112 = arith.constant true
        %select_n3A_113 = arith.select %select_n3A_112, %sub3A_111, %select_n3A_99 : i32
        %eq3A_114 = arith.constant -1 : i32
        %eq3A_115 = arith.cmpi eq, %select_n3A_113, %eq3A_114 : i32
        %sub3A_116 = arith.constant 1 : i32
        %sub3A_117 = arith.subi %select_n3A, %sub3A_116 : i32
        %select_n3A_118 = arith.select %eq3A_115, %sub3A_117, %select_n3A_113 : i32
        %add3A_119 = arith.addi %select_n3A_118, %select_n3A_14 : i32
        %add3A_120 = arith.constant 1 : i32
        %add3A_121 = arith.addi %select_n3A_99, %add3A_120 : i32
        %select_n3A_122 = arith.constant true
        %select_n3A_123 = arith.select %select_n3A_122, %add3A_121, %select_n3A_99 : i32
        %eq3A_124 = arith.cmpi eq, %select_n3A_123, %select_n3A : i32
        %select_n3A_125 = arith.constant 0 : i32
        %select_n3A_126 = arith.select %eq3A_124, %select_n3A_125, %select_n3A_123 : i32
        %add3A_127 = arith.addi %select_n3A_126, %select_n3A_14 : i32
        %add3A_128 = arith.constant 1 : i32
        %add3A_129 = arith.addi %select_n3A_126, %add3A_128 : i32
        %select_n3A_130 = arith.constant true
        %select_n3A_131 = arith.select %select_n3A_130, %add3A_129, %select_n3A_126 : i32
        %eq3A_132 = arith.cmpi eq, %select_n3A_131, %select_n3A : i32
        %select_n3A_133 = arith.constant 0 : i32
        %select_n3A_134 = arith.select %eq3A_132, %select_n3A_133, %select_n3A_131 : i32
        %add3A_135 = arith.addi %select_n3A_134, %select_n3A_14 : i32
        %convert_element_type3A_136 = arith.extui %eq3A_108 : i1 to i32
        %cond3A_137 = arith.constant 0 : i32
        %cond3A_138 = arith.cmpi ne, %convert_element_type3A_136, %cond3A_137 : i32
        scf.if %cond3A_138 {
        } else {
        }
        %convert_element_type3A_139 = arith.extui %eq3A_108 : i1 to i32
        %cond3A_140 = arith.constant 0 : i32
        %cond3A_141 = arith.cmpi ne, %convert_element_type3A_139, %cond3A_140 : i32
        scf.if %cond3A_141 {
          "tpu.trace_start"() <{level = 10 : i32, message = "ep_finalize"}> : () -> ()
          %rem3A_142 = arith.constant 2 : i32
          %rem3A_143 = arith.remui %while3A_90#3, %rem3A_142 : i32
          %mul3A_144 = arith.constant 1280 : i32
          %mul3A_145 = arith.muli %mul3A_144, %add3A_109 : i32
          %dma_wait3A = arith.constant 0 : i32
          %dma_wait3A_146 = arith.constant 0 : i32
          %dma_wait3A_147 = tpu.memref_slice %run_scoped3A_18[%rem3A_143, %dma_wait3A, %dma_wait3A_146] : memref<2x1280x16xf32, #tpu.memory_space<vmem>> -> memref<1x1280x16xf32, #tpu.memory_space<vmem>>
          %dma_wait3A_148 = tpu.memref_squeeze %dma_wait3A_147 : memref<1x1280x16xf32, #tpu.memory_space<vmem>> -> memref<1280x16xf32, #tpu.memory_space<vmem>>
          %dma_wait3A_149 = arith.constant 0 : i32
          %dma_wait3A_150 = tpu.memref_slice %arg4[%mul3A_145, %dma_wait3A_149] : memref<800000x16xf32, #tpu.memory_space<hbm>> -> memref<1280x16xf32, #tpu.memory_space<hbm>>
          %dma_wait3A_151 = tpu.memref_slice %run_scoped3A_19[%rem3A_143] : memref<2x!tpu.dma_semaphore, #tpu.memory_space<semaphore_mem>> -> memref<1x!tpu.dma_semaphore, #tpu.memory_space<semaphore_mem>>
          %dma_wait3A_152 = tpu.memref_squeeze %dma_wait3A_151 : memref<1x!tpu.dma_semaphore, #tpu.memory_space<semaphore_mem>> -> memref<!tpu.dma_semaphore, #tpu.memory_space<semaphore_mem>>
          %dma_wait3A_153 = arith.constant 0 : i32
          %dma_wait3A_154 = tpu.memref_slice %arg4[%mul3A_145, %dma_wait3A_153] : memref<800000x16xf32, #tpu.memory_space<hbm>> -> memref<1280x16xf32, #tpu.memory_space<hbm>>
          %dma_wait3A_155 = arith.constant 0 : i32
          %dma_wait3A_156 = arith.constant 0 : i32
          %dma_wait3A_157 = tpu.memref_slice %run_scoped3A_18[%rem3A_143, %dma_wait3A_155, %dma_wait3A_156] : memref<2x1280x16xf32, #tpu.memory_space<vmem>> -> memref<1x1280x16xf32, #tpu.memory_space<vmem>>
          %dma_wait3A_158 = tpu.memref_squeeze %dma_wait3A_157 : memref<1x1280x16xf32, #tpu.memory_space<vmem>> -> memref<1280x16xf32, #tpu.memory_space<vmem>>
          tpu.wait_dma2 semaphore(%dma_wait3A_152 : memref<!tpu.dma_semaphore, #tpu.memory_space<semaphore_mem>>) src(%dma_wait3A_158 : memref<1280x16xf32, #tpu.memory_space<vmem>>) dst(%dma_wait3A_154 : memref<1280x16xf32, #tpu.memory_space<hbm>>)
          "tpu.trace_stop"() : () -> ()
        } else {
        }
      } else {
      }
      tpu.yield
    }) : () -> ()
    return
  }
}

module attributes {stable_mosaic.version = 14 : i64} {
  func.func @_edge_pass_body(%arg0: i32, %arg1: i32, %arg2: memref<4000x128xf32, #tpu.memory_space<vmem>>, %arg3: memref<4000x24xbf16, #tpu.memory_space<vmem>>, %arg4: memref<1x4000xf32, #tpu.memory_space<vmem>>, %arg5: memref<128x512xbf16, #tpu.memory_space<vmem>>, %arg6: memref<1x512xf32, #tpu.memory_space<vmem>>, %arg7: memref<24x256xbf16, #tpu.memory_space<vmem>>, %arg8: memref<1x256xf32, #tpu.memory_space<vmem>>, %arg9: memref<512x512xbf16, #tpu.memory_space<vmem>>, %arg10: memref<1x512x512xbf16, #tpu.memory_space<vmem>>, %arg11: memref<1x256x512xbf16, #tpu.memory_space<vmem>>, %arg12: memref<1x1x64xf32, #tpu.memory_space<vmem>>, %arg13: memref<1x64x64xf32, #tpu.memory_space<vmem>>, %arg14: memref<1x64xf32, #tpu.memory_space<vmem>>, %arg15: memref<1x512xf32, #tpu.memory_space<vmem>>, %arg16: memref<1x64xf32, #tpu.memory_space<vmem>>, %arg17: memref<1x512xf32, #tpu.memory_space<vmem>>) attributes {dimension_semantics = [#tpu.dimension_semantics<arbitrary>, #tpu.dimension_semantics<arbitrary>], iteration_bounds = array<i64: 3, 25>, scalar_prefetch = 0 : i64, scratch_operands = 3 : i64, tpu.core_type = #tpu.core_type<tc>, window_params = [{transform_indices = @transform_0, window_bounds = array<i64: 4000, 128>}, {transform_indices = @transform_1, window_bounds = array<i64: 4000, 24>}, {pipeline_mode = #tpu.pipeline_mode<synchronous>, transform_indices = @transform_2, window_bounds = array<i64: 1, 4000>}, {pipeline_mode = #tpu.pipeline_mode<synchronous>, transform_indices = @transform_3, window_bounds = array<i64: 128, 512>}, {pipeline_mode = #tpu.pipeline_mode<synchronous>, transform_indices = @transform_4, window_bounds = array<i64: 1, 512>}, {pipeline_mode = #tpu.pipeline_mode<synchronous>, transform_indices = @transform_5, window_bounds = array<i64: 24, 256>}, {pipeline_mode = #tpu.pipeline_mode<synchronous>, transform_indices = @transform_6, window_bounds = array<i64: 1, 256>}, {pipeline_mode = #tpu.pipeline_mode<synchronous>, transform_indices = @transform_7, window_bounds = array<i64: 512, 512>}, {transform_indices = @transform_8, window_bounds = array<i64: 1, 512, 512>}, {transform_indices = @transform_9, window_bounds = array<i64: 1, 256, 512>}, {transform_indices = @transform_10, window_bounds = array<i64: 1, 1, 64>}, {transform_indices = @transform_11, window_bounds = array<i64: 1, 64, 64>}, {pipeline_mode = #tpu.pipeline_mode<synchronous>, transform_indices = @transform_12, window_bounds = array<i64: 1, 64>}]} {
    %eq3A = arith.constant 0 : i32
    %eq3A_0 = arith.cmpi eq, %arg1, %eq3A : i32
    %convert_element_type3A = arith.extui %eq3A_0 : i1 to i32
    %cond3A = arith.constant 0 : i32
    %cond3A_1 = arith.cmpi ne, %convert_element_type3A, %cond3A : i32
    scf.if %cond3A_1 {
      %eq3A_135 = arith.constant 0 : i32
      %eq3A_136 = arith.cmpi eq, %arg0, %eq3A_135 : i32
      %convert_element_type3A_137 = arith.extui %eq3A_136 : i1 to i32
      %cond3A_138 = arith.constant 0 : i32
      %cond3A_139 = arith.cmpi ne, %convert_element_type3A_137, %cond3A_138 : i32
      scf.if %cond3A_139 {
        %broadcast_in_dim3A_181 = arith.constant 0.000000e+00 : f32
        %broadcast_in_dim3A_182 = vector.broadcast %broadcast_in_dim3A_181 : f32 to vector<1x64xf32>
        %swap3A_183 = arith.constant 0 : index
        %swap3A_184 = arith.constant 0 : index
        %swap3A_185 = vector.load %arg16[%swap3A_183, %swap3A_184] : memref<1x64xf32, #tpu.memory_space<vmem>>, vector<1x64xf32>
        tpu.vector_store %arg16[%swap3A_183, %swap3A_184], %broadcast_in_dim3A_182 {strides = array<i32>} : memref<1x64xf32, #tpu.memory_space<vmem>>, vector<1x64xf32>,
      } else {
      }
      %gt3A = arith.constant 0 : i32
      %gt3A_140 = arith.cmpi sgt, %arg0, %gt3A : i32
      %convert_element_type3A_141 = arith.extui %gt3A_140 : i1 to i32
      %cond3A_142 = arith.constant 0 : i32
      %cond3A_143 = arith.cmpi ne, %convert_element_type3A_141, %cond3A_142 : i32
      scf.if %cond3A_143 {
        %get3A_181 = arith.constant 0 : index
        %get3A_182 = arith.constant 0 : index
        %get3A_183 = vector.load %arg16[%get3A_181, %get3A_182] : memref<1x64xf32, #tpu.memory_space<vmem>>, vector<1x64xf32>
        %get3A_184 = arith.constant 0 : index
        %get3A_185 = arith.constant 0 : index
        %get3A_186 = vector.load %arg15[%get3A_184, %get3A_185] : memref<1x512xf32, #tpu.memory_space<vmem>>, vector<1x512xf32>
        %slice3A = vector.extract_strided_slice %get3A_186 {offsets = [0, 0], sizes = [1, 64], strides = [1, 1]} : vector<1x512xf32> to vector<1x64xf32>
        %slice3A_187 = vector.extract_strided_slice %get3A_186 {offsets = [0, 64], sizes = [1, 64], strides = [1, 1]} : vector<1x512xf32> to vector<1x64xf32>
        %add3A_188 = arith.addf %slice3A, %slice3A_187 : vector<1x64xf32>
        %slice3A_189 = vector.extract_strided_slice %get3A_186 {offsets = [0, 128], sizes = [1, 64], strides = [1, 1]} : vector<1x512xf32> to vector<1x64xf32>
        %add3A_190 = arith.addf %add3A_188, %slice3A_189 : vector<1x64xf32>
        %slice3A_191 = vector.extract_strided_slice %get3A_186 {offsets = [0, 192], sizes = [1, 64], strides = [1, 1]} : vector<1x512xf32> to vector<1x64xf32>
        %add3A_192 = arith.addf %add3A_190, %slice3A_191 : vector<1x64xf32>
        %slice3A_193 = vector.extract_strided_slice %get3A_186 {offsets = [0, 256], sizes = [1, 64], strides = [1, 1]} : vector<1x512xf32> to vector<1x64xf32>
        %add3A_194 = arith.addf %add3A_192, %slice3A_193 : vector<1x64xf32>
        %slice3A_195 = vector.extract_strided_slice %get3A_186 {offsets = [0, 320], sizes = [1, 64], strides = [1, 1]} : vector<1x512xf32> to vector<1x64xf32>
        %add3A_196 = arith.addf %add3A_194, %slice3A_195 : vector<1x64xf32>
        %slice3A_197 = vector.extract_strided_slice %get3A_186 {offsets = [0, 384], sizes = [1, 64], strides = [1, 1]} : vector<1x512xf32> to vector<1x64xf32>
        %add3A_198 = arith.addf %add3A_196, %slice3A_197 : vector<1x64xf32>
        %slice3A_199 = vector.extract_strided_slice %get3A_186 {offsets = [0, 448], sizes = [1, 64], strides = [1, 1]} : vector<1x512xf32> to vector<1x64xf32>
        %add3A_200 = arith.addf %add3A_198, %slice3A_199 : vector<1x64xf32>
        %mul3A_201 = arith.constant 1.250000e-06 : f32
        %mul3A_202 = vector.broadcast %mul3A_201 : f32 to vector<1x64xf32>
        %mul3A_203 = arith.mulf %add3A_200, %mul3A_202 : vector<1x64xf32>
        %add3A_204 = arith.addf %get3A_183, %mul3A_203 : vector<1x64xf32>
        %swap3A_205 = arith.constant 0 : index
        %swap3A_206 = arith.constant 0 : index
        %swap3A_207 = vector.load %arg16[%swap3A_205, %swap3A_206] : memref<1x64xf32, #tpu.memory_space<vmem>>, vector<1x64xf32>
        tpu.vector_store %arg16[%swap3A_205, %swap3A_206], %add3A_204 {strides = array<i32>} : memref<1x64xf32, #tpu.memory_space<vmem>>, vector<1x64xf32>,
      } else {
      }
      %broadcast_in_dim3A = arith.constant 0.000000e+00 : f32
      %broadcast_in_dim3A_144 = vector.broadcast %broadcast_in_dim3A : f32 to vector<1x512xf32>
      %swap3A_145 = arith.constant 0 : index
      %swap3A_146 = arith.constant 0 : index
      %swap3A_147 = vector.load %arg15[%swap3A_145, %swap3A_146] : memref<1x512xf32, #tpu.memory_space<vmem>>, vector<1x512xf32>
      tpu.vector_store %arg15[%swap3A_145, %swap3A_146], %broadcast_in_dim3A_144 {strides = array<i32>} : memref<1x512xf32, #tpu.memory_space<vmem>>, vector<1x512xf32>,
      %get3A_148 = arith.constant 0 : index
      %get3A_149 = arith.constant 0 : index
      %get3A_150 = arith.constant 0 : index
      %get3A_151 = vector.load %arg12[%get3A_148, %get3A_149, %get3A_150] : memref<1x1x64xf32, #tpu.memory_space<vmem>>, vector<1x1x64xf32>
      %get3A_152 = vector.shape_cast %get3A_151 : vector<1x1x64xf32> to vector<1x64xf32>
      %get3A_153 = arith.constant 0 : index
      %get3A_154 = arith.constant 0 : index
      %get3A_155 = vector.load %arg16[%get3A_153, %get3A_154] : memref<1x64xf32, #tpu.memory_space<vmem>>, vector<1x64xf32>
      %get3A_156 = arith.constant 0 : index
      %get3A_157 = arith.constant 0 : index
      %get3A_158 = arith.constant 0 : index
      %get3A_159 = vector.load %arg13[%get3A_156, %get3A_157, %get3A_158] : memref<1x64x64xf32, #tpu.memory_space<vmem>>, vector<1x64x64xf32>
      %get3A_160 = vector.shape_cast %get3A_159 : vector<1x64x64xf32> to vector<64x64xf32>
      %convert_element_type3A_161 = arith.truncf %get3A_155 : vector<1x64xf32> to vector<1x64xbf16>
      %convert_element_type3A_162 = arith.extf %convert_element_type3A_161 : vector<1x64xbf16> to vector<1x64xf32>
      %sub3A_163 = arith.subf %get3A_155, %convert_element_type3A_162 : vector<1x64xf32>
      %convert_element_type3A_164 = arith.truncf %sub3A_163 : vector<1x64xf32> to vector<1x64xbf16>
      %convert_element_type3A_165 = arith.truncf %get3A_160 : vector<64x64xf32> to vector<64x64xbf16>
      %convert_element_type3A_166 = arith.extf %convert_element_type3A_165 : vector<64x64xbf16> to vector<64x64xf32>
      %sub3A_167 = arith.subf %get3A_160, %convert_element_type3A_166 : vector<64x64xf32>
      %convert_element_type3A_168 = arith.truncf %sub3A_167 : vector<64x64xf32> to vector<64x64xbf16>
      %dot_general3A_169 = arith.constant dense<0.000000e+00> : vector<1x64xf32>
      %dot_general3A_170 = tpu.matmul %convert_element_type3A_164, %convert_element_type3A_165, %dot_general3A_169 {dimension_numbers = #tpu.dot_dimension_numbers<[1], [0], [0], [1], [0, 0, 1, 1], [], []>, transpose_lhs_hint = false} : vector<1x64xbf16>, vector<64x64xbf16>, vector<1x64xf32> -> vector<1x64xf32>
      %dot_general3A_171 = arith.constant dense<0.000000e+00> : vector<1x64xf32>
      %dot_general3A_172 = tpu.matmul %convert_element_type3A_161, %convert_element_type3A_168, %dot_general3A_171 {dimension_numbers = #tpu.dot_dimension_numbers<[1], [0], [0], [1], [0, 0, 1, 1], [], []>, transpose_lhs_hint = false} : vector<1x64xbf16>, vector<64x64xbf16>, vector<1x64xf32> -> vector<1x64xf32>
      %add3A_173 = arith.addf %dot_general3A_170, %dot_general3A_172 : vector<1x64xf32>
      %dot_general3A_174 = arith.constant dense<0.000000e+00> : vector<1x64xf32>
      %dot_general3A_175 = tpu.matmul %convert_element_type3A_161, %convert_element_type3A_165, %dot_general3A_174 {dimension_numbers = #tpu.dot_dimension_numbers<[1], [0], [0], [1], [0, 0, 1, 1], [], []>, transpose_lhs_hint = false} : vector<1x64xbf16>, vector<64x64xbf16>, vector<1x64xf32> -> vector<1x64xf32>
      %add3A_176 = arith.addf %add3A_173, %dot_general3A_175 : vector<1x64xf32>
      %add3A_177 = arith.addf %get3A_152, %add3A_176 : vector<1x64xf32>
      %concatenate3A = tpu.concatenate %add3A_177, %add3A_177, %add3A_177, %add3A_177, %add3A_177, %add3A_177, %add3A_177, %add3A_177 in 1 : vector<1x64xf32>, vector<1x64xf32>, vector<1x64xf32>, vector<1x64xf32>, vector<1x64xf32>, vector<1x64xf32>, vector<1x64xf32>, vector<1x64xf32> -> vector<1x512xf32>
      %swap3A_178 = arith.constant 0 : index
      %swap3A_179 = arith.constant 0 : index
      %swap3A_180 = vector.load %arg17[%swap3A_178, %swap3A_179] : memref<1x512xf32, #tpu.memory_space<vmem>>, vector<1x512xf32>
      tpu.vector_store %arg17[%swap3A_178, %swap3A_179], %concatenate3A {strides = array<i32>} : memref<1x512xf32, #tpu.memory_space<vmem>>, vector<1x512xf32>,
    } else {
    }
    %get3A = arith.constant 0 : index
    %get3A_2 = arith.constant 0 : index
    %get3A_3 = vector.load %arg2[%get3A, %get3A_2] : memref<4000x128xf32, #tpu.memory_space<vmem>>, vector<4000x128xf32>
    %get3A_4 = arith.constant 0 : index
    %get3A_5 = arith.constant 0 : index
    %get3A_6 = vector.load %arg5[%get3A_4, %get3A_5] : memref<128x512xbf16, #tpu.memory_space<vmem>>, vector<128x512xbf16>
    %convert_element_type3A_7 = arith.truncf %get3A_3 : vector<4000x128xf32> to vector<4000x128xbf16>
    %dot_general3A = arith.constant dense<0.000000e+00> : vector<4000x512xf32>
    %dot_general3A_8 = tpu.matmul %convert_element_type3A_7, %get3A_6, %dot_general3A {dimension_numbers = #tpu.dot_dimension_numbers<[1], [0], [0], [1], [0, 0, 1, 1], [], []>, transpose_lhs_hint = false} : vector<4000x128xbf16>, vector<128x512xbf16>, vector<4000x512xf32> -> vector<4000x512xf32>
    %get3A_9 = arith.constant 0 : index
    %get3A_10 = arith.constant 0 : index
    %get3A_11 = vector.load %arg6[%get3A_9, %get3A_10] : memref<1x512xf32, #tpu.memory_space<vmem>>, vector<1x512xf32>
    %add3A = vector.broadcast %get3A_11 : vector<1x512xf32> to vector<4000x512xf32>
    %add3A_12 = arith.addf %dot_general3A_8, %add3A : vector<4000x512xf32>
    %max3A = arith.constant 0.000000e+00 : f32
    %max3A_13 = vector.broadcast %max3A : f32 to vector<4000x512xf32>
    %max3A_14 = arith.maximumf %add3A_12, %max3A_13 : vector<4000x512xf32>
    %get3A_15 = arith.constant 0 : index
    %get3A_16 = arith.constant 0 : index
    %get3A_17 = vector.load %arg3[%get3A_15, %get3A_16] : memref<4000x24xbf16, #tpu.memory_space<vmem>>, vector<4000x24xbf16>
    %get3A_18 = arith.constant 0 : index
    %get3A_19 = arith.constant 0 : index
    %get3A_20 = vector.load %arg7[%get3A_18, %get3A_19] : memref<24x256xbf16, #tpu.memory_space<vmem>>, vector<24x256xbf16>
    %dot_general3A_21 = arith.constant dense<0.000000e+00> : vector<4000x256xf32>
    %dot_general3A_22 = tpu.matmul %get3A_17, %get3A_20, %dot_general3A_21 {dimension_numbers = #tpu.dot_dimension_numbers<[1], [0], [0], [1], [0, 0, 1, 1], [], []>, transpose_lhs_hint = false} : vector<4000x24xbf16>, vector<24x256xbf16>, vector<4000x256xf32> -> vector<4000x256xf32>
    %get3A_23 = arith.constant 0 : index
    %get3A_24 = arith.constant 0 : index
    %get3A_25 = vector.load %arg8[%get3A_23, %get3A_24] : memref<1x256xf32, #tpu.memory_space<vmem>>, vector<1x256xf32>
    %add3A_26 = vector.broadcast %get3A_25 : vector<1x256xf32> to vector<4000x256xf32>
    %add3A_27 = arith.addf %dot_general3A_22, %add3A_26 : vector<4000x256xf32>
    %max3A_28 = arith.constant 0.000000e+00 : f32
    %max3A_29 = vector.broadcast %max3A_28 : f32 to vector<4000x256xf32>
    %max3A_30 = arith.maximumf %add3A_27, %max3A_29 : vector<4000x256xf32>
    %get3A_31 = arith.constant 0 : index
    %get3A_32 = arith.constant 0 : index
    %get3A_33 = arith.constant 0 : index
    %get3A_34 = vector.load %arg10[%get3A_31, %get3A_32, %get3A_33] : memref<1x512x512xbf16, #tpu.memory_space<vmem>>, vector<1x512x512xbf16>
    %get3A_35 = vector.shape_cast %get3A_34 : vector<1x512x512xbf16> to vector<512x512xbf16>
    %convert_element_type3A_36 = arith.truncf %max3A_14 : vector<4000x512xf32> to vector<4000x512xbf16>
    %convert_element_type3A_37 = arith.extf %convert_element_type3A_36 : vector<4000x512xbf16> to vector<4000x512xf32>
    %sub3A = arith.subf %max3A_14, %convert_element_type3A_37 : vector<4000x512xf32>
    %convert_element_type3A_38 = arith.truncf %sub3A : vector<4000x512xf32> to vector<4000x512xbf16>
    %dot_general3A_39 = arith.constant dense<0.000000e+00> : vector<4000x512xf32>
    %dot_general3A_40 = tpu.matmul %convert_element_type3A_36, %get3A_35, %dot_general3A_39 {dimension_numbers = #tpu.dot_dimension_numbers<[1], [0], [0], [1], [0, 0, 1, 1], [], []>, transpose_lhs_hint = false} : vector<4000x512xbf16>, vector<512x512xbf16>, vector<4000x512xf32> -> vector<4000x512xf32>
    %dot_general3A_41 = arith.constant dense<0.000000e+00> : vector<4000x512xf32>
    %dot_general3A_42 = tpu.matmul %convert_element_type3A_38, %get3A_35, %dot_general3A_41 {dimension_numbers = #tpu.dot_dimension_numbers<[1], [0], [0], [1], [0, 0, 1, 1], [], []>, transpose_lhs_hint = false} : vector<4000x512xbf16>, vector<512x512xbf16>, vector<4000x512xf32> -> vector<4000x512xf32>
    %add3A_43 = arith.addf %dot_general3A_40, %dot_general3A_42 : vector<4000x512xf32>
    %get3A_44 = arith.constant 0 : index
    %get3A_45 = arith.constant 0 : index
    %get3A_46 = arith.constant 0 : index
    %get3A_47 = vector.load %arg11[%get3A_44, %get3A_45, %get3A_46] : memref<1x256x512xbf16, #tpu.memory_space<vmem>>, vector<1x256x512xbf16>
    %get3A_48 = vector.shape_cast %get3A_47 : vector<1x256x512xbf16> to vector<256x512xbf16>
    %convert_element_type3A_49 = arith.truncf %max3A_30 : vector<4000x256xf32> to vector<4000x256xbf16>
    %dot_general3A_50 = arith.constant dense<0.000000e+00> : vector<4000x512xf32>
    %dot_general3A_51 = tpu.matmul %convert_element_type3A_49, %get3A_48, %dot_general3A_50 {dimension_numbers = #tpu.dot_dimension_numbers<[1], [0], [0], [1], [0, 0, 1, 1], [], []>, transpose_lhs_hint = false} : vector<4000x256xbf16>, vector<256x512xbf16>, vector<4000x512xf32> -> vector<4000x512xf32>
    %add3A_52 = arith.addf %add3A_43, %dot_general3A_51 : vector<4000x512xf32>
    %get3A_53 = arith.constant 0 : index
    %get3A_54 = arith.constant 0 : index
    %get3A_55 = vector.load %arg17[%get3A_53, %get3A_54] : memref<1x512xf32, #tpu.memory_space<vmem>>, vector<1x512xf32>
    %add3A_56 = vector.broadcast %get3A_55 : vector<1x512xf32> to vector<4000x512xf32>
    %add3A_57 = arith.addf %add3A_52, %add3A_56 : vector<4000x512xf32>
    %max3A_58 = arith.constant 0.000000e+00 : f32
    %max3A_59 = vector.broadcast %max3A_58 : f32 to vector<4000x512xf32>
    %max3A_60 = arith.maximumf %add3A_57, %max3A_59 : vector<4000x512xf32>
    %get3A_61 = arith.constant 0 : index
    %get3A_62 = arith.constant 0 : index
    %get3A_63 = vector.load %arg9[%get3A_61, %get3A_62] : memref<512x512xbf16, #tpu.memory_space<vmem>>, vector<512x512xbf16>
    %convert_element_type3A_64 = arith.truncf %max3A_60 : vector<4000x512xf32> to vector<4000x512xbf16>
    %convert_element_type3A_65 = arith.extf %convert_element_type3A_64 : vector<4000x512xbf16> to vector<4000x512xf32>
    %sub3A_66 = arith.subf %max3A_60, %convert_element_type3A_65 : vector<4000x512xf32>
    %convert_element_type3A_67 = arith.truncf %sub3A_66 : vector<4000x512xf32> to vector<4000x512xbf16>
    %dot_general3A_68 = arith.constant dense<0.000000e+00> : vector<4000x512xf32>
    %dot_general3A_69 = tpu.matmul %convert_element_type3A_64, %get3A_63, %dot_general3A_68 {dimension_numbers = #tpu.dot_dimension_numbers<[1], [0], [0], [1], [0, 0, 1, 1], [], []>, transpose_lhs_hint = false} : vector<4000x512xbf16>, vector<512x512xbf16>, vector<4000x512xf32> -> vector<4000x512xf32>
    %dot_general3A_70 = arith.constant dense<0.000000e+00> : vector<4000x512xf32>
    %dot_general3A_71 = tpu.matmul %convert_element_type3A_67, %get3A_63, %dot_general3A_70 {dimension_numbers = #tpu.dot_dimension_numbers<[1], [0], [0], [1], [0, 0, 1, 1], [], []>, transpose_lhs_hint = false} : vector<4000x512xbf16>, vector<512x512xbf16>, vector<4000x512xf32> -> vector<4000x512xf32>
    %add3A_72 = arith.addf %dot_general3A_69, %dot_general3A_71 : vector<4000x512xf32>
    %mul3A = arith.constant 1.562500e-02 : f32
    %mul3A_73 = vector.broadcast %mul3A : f32 to vector<4000x512xf32>
    %mul3A_74 = arith.mulf %add3A_72, %mul3A_73 : vector<4000x512xf32>
    %sub3A_75 = arith.subf %max3A_60, %mul3A_74 : vector<4000x512xf32>
    %mul3A_76 = arith.mulf %sub3A_75, %sub3A_75 : vector<4000x512xf32>
    %get3A_77 = arith.constant 0 : index
    %get3A_78 = arith.constant 0 : index
    %get3A_79 = vector.load %arg9[%get3A_77, %get3A_78] : memref<512x512xbf16, #tpu.memory_space<vmem>>, vector<512x512xbf16>
    %convert_element_type3A_80 = arith.truncf %mul3A_76 : vector<4000x512xf32> to vector<4000x512xbf16>
    %convert_element_type3A_81 = arith.extf %convert_element_type3A_80 : vector<4000x512xbf16> to vector<4000x512xf32>
    %sub3A_82 = arith.subf %mul3A_76, %convert_element_type3A_81 : vector<4000x512xf32>
    %convert_element_type3A_83 = arith.truncf %sub3A_82 : vector<4000x512xf32> to vector<4000x512xbf16>
    %dot_general3A_84 = arith.constant dense<0.000000e+00> : vector<4000x512xf32>
    %dot_general3A_85 = tpu.matmul %convert_element_type3A_80, %get3A_79, %dot_general3A_84 {dimension_numbers = #tpu.dot_dimension_numbers<[1], [0], [0], [1], [0, 0, 1, 1], [], []>, transpose_lhs_hint = false} : vector<4000x512xbf16>, vector<512x512xbf16>, vector<4000x512xf32> -> vector<4000x512xf32>
    %dot_general3A_86 = arith.constant dense<0.000000e+00> : vector<4000x512xf32>
    %dot_general3A_87 = tpu.matmul %convert_element_type3A_83, %get3A_79, %dot_general3A_86 {dimension_numbers = #tpu.dot_dimension_numbers<[1], [0], [0], [1], [0, 0, 1, 1], [], []>, transpose_lhs_hint = false} : vector<4000x512xbf16>, vector<512x512xbf16>, vector<4000x512xf32> -> vector<4000x512xf32>
    %add3A_88 = arith.addf %dot_general3A_85, %dot_general3A_87 : vector<4000x512xf32>
    %mul3A_89 = arith.constant 1.562500e-02 : f32
    %mul3A_90 = vector.broadcast %mul3A_89 : f32 to vector<4000x512xf32>
    %mul3A_91 = arith.mulf %add3A_88, %mul3A_90 : vector<4000x512xf32>
    %add3A_92 = arith.constant 9.99999974E-6 : f32
    %add3A_93 = vector.broadcast %add3A_92 : f32 to vector<4000x512xf32>
    %add3A_94 = arith.addf %mul3A_91, %add3A_93 : vector<4000x512xf32>
    %rsqrt3A = math.rsqrt %add3A_94 : vector<4000x512xf32>
    %mul3A_95 = arith.constant 5.000000e-01 : f32
    %mul3A_96 = vector.broadcast %mul3A_95 : f32 to vector<4000x512xf32>
    %mul3A_97 = arith.mulf %mul3A_96, %add3A_94 : vector<4000x512xf32>
    %mul3A_98 = arith.mulf %mul3A_97, %rsqrt3A : vector<4000x512xf32>
    %mul3A_99 = arith.mulf %mul3A_98, %rsqrt3A : vector<4000x512xf32>
    %sub3A_100 = arith.constant 1.500000e+00 : f32
    %sub3A_101 = vector.broadcast %sub3A_100 : f32 to vector<4000x512xf32>
    %sub3A_102 = arith.subf %sub3A_101, %mul3A_99 : vector<4000x512xf32>
    %mul3A_103 = arith.mulf %rsqrt3A, %sub3A_102 : vector<4000x512xf32>
    %mul3A_104 = arith.mulf %sub3A_75, %mul3A_103 : vector<4000x512xf32>
    %convert_element_type3A_105 = arith.truncf %mul3A_104 : vector<4000x512xf32> to vector<4000x512xbf16>
    %convert_element_type3A_106 = arith.extf %convert_element_type3A_105 : vector<4000x512xbf16> to vector<4000x512xf32>
    %sub3A_107 = arith.subf %mul3A_104, %convert_element_type3A_106 : vector<4000x512xf32>
    %convert_element_type3A_108 = arith.truncf %sub3A_107 : vector<4000x512xf32> to vector<4000x512xbf16>
    %get3A_109 = arith.constant 0 : index
    %get3A_110 = arith.constant 0 : index
    %get3A_111 = vector.load %arg15[%get3A_109, %get3A_110] : memref<1x512xf32, #tpu.memory_space<vmem>>, vector<1x512xf32>
    %get3A_112 = arith.constant 0 : index
    %get3A_113 = arith.constant 0 : index
    %get3A_114 = vector.load %arg4[%get3A_112, %get3A_113] : memref<1x4000xf32, #tpu.memory_space<vmem>>, vector<1x4000xf32>
    %convert_element_type3A_115 = arith.truncf %get3A_114 : vector<1x4000xf32> to vector<1x4000xbf16>
    %dot_general3A_116 = arith.constant dense<0.000000e+00> : vector<1x512xf32>
    %dot_general3A_117 = tpu.matmul %convert_element_type3A_115, %convert_element_type3A_105, %dot_general3A_116 {dimension_numbers = #tpu.dot_dimension_numbers<[1], [0], [0], [1], [0, 0, 1, 1], [], []>, transpose_lhs_hint = false} : vector<1x4000xbf16>, vector<4000x512xbf16>, vector<1x512xf32> -> vector<1x512xf32>
    %add3A_118 = arith.addf %get3A_111, %dot_general3A_117 : vector<1x512xf32>
    %get3A_119 = arith.constant 0 : index
    %get3A_120 = arith.constant 0 : index
    %get3A_121 = vector.load %arg4[%get3A_119, %get3A_120] : memref<1x4000xf32, #tpu.memory_space<vmem>>, vector<1x4000xf32>
    %convert_element_type3A_122 = arith.truncf %get3A_121 : vector<1x4000xf32> to vector<1x4000xbf16>
    %dot_general3A_123 = arith.constant dense<0.000000e+00> : vector<1x512xf32>
    %dot_general3A_124 = tpu.matmul %convert_element_type3A_122, %convert_element_type3A_108, %dot_general3A_123 {dimension_numbers = #tpu.dot_dimension_numbers<[1], [0], [0], [1], [0, 0, 1, 1], [], []>, transpose_lhs_hint = false} : vector<1x4000xbf16>, vector<4000x512xbf16>, vector<1x512xf32> -> vector<1x512xf32>
    %add3A_125 = arith.addf %add3A_118, %dot_general3A_124 : vector<1x512xf32>
    %swap3A = arith.constant 0 : index
    %swap3A_126 = arith.constant 0 : index
    %swap3A_127 = vector.load %arg15[%swap3A, %swap3A_126] : memref<1x512xf32, #tpu.memory_space<vmem>>, vector<1x512xf32>
    tpu.vector_store %arg15[%swap3A, %swap3A_126], %add3A_125 {strides = array<i32>} : memref<1x512xf32, #tpu.memory_space<vmem>>, vector<1x512xf32>,
    %eq3A_128 = arith.constant 2 : i32
    %eq3A_129 = arith.cmpi eq, %arg0, %eq3A_128 : i32
    %eq3A_130 = arith.constant 24 : i32
    %eq3A_131 = arith.cmpi eq, %arg1, %eq3A_130 : i32
    %and3A = arith.andi %eq3A_129, %eq3A_131 : i1
    %convert_element_type3A_132 = arith.extui %and3A : i1 to i32
    %cond3A_133 = arith.constant 0 : i32
    %cond3A_134 = arith.cmpi ne, %convert_element_type3A_132, %cond3A_133 : i32
    scf.if %cond3A_134 {
      %get3A_135 = arith.constant 0 : index
      %get3A_136 = arith.constant 0 : index
      %get3A_137 = vector.load %arg16[%get3A_135, %get3A_136] : memref<1x64xf32, #tpu.memory_space<vmem>>, vector<1x64xf32>
      %get3A_138 = arith.constant 0 : index
      %get3A_139 = arith.constant 0 : index
      %get3A_140 = vector.load %arg15[%get3A_138, %get3A_139] : memref<1x512xf32, #tpu.memory_space<vmem>>, vector<1x512xf32>
      %slice3A = vector.extract_strided_slice %get3A_140 {offsets = [0, 0], sizes = [1, 64], strides = [1, 1]} : vector<1x512xf32> to vector<1x64xf32>
      %slice3A_141 = vector.extract_strided_slice %get3A_140 {offsets = [0, 64], sizes = [1, 64], strides = [1, 1]} : vector<1x512xf32> to vector<1x64xf32>
      %add3A_142 = arith.addf %slice3A, %slice3A_141 : vector<1x64xf32>
      %slice3A_143 = vector.extract_strided_slice %get3A_140 {offsets = [0, 128], sizes = [1, 64], strides = [1, 1]} : vector<1x512xf32> to vector<1x64xf32>
      %add3A_144 = arith.addf %add3A_142, %slice3A_143 : vector<1x64xf32>
      %slice3A_145 = vector.extract_strided_slice %get3A_140 {offsets = [0, 192], sizes = [1, 64], strides = [1, 1]} : vector<1x512xf32> to vector<1x64xf32>
      %add3A_146 = arith.addf %add3A_144, %slice3A_145 : vector<1x64xf32>
      %slice3A_147 = vector.extract_strided_slice %get3A_140 {offsets = [0, 256], sizes = [1, 64], strides = [1, 1]} : vector<1x512xf32> to vector<1x64xf32>
      %add3A_148 = arith.addf %add3A_146, %slice3A_147 : vector<1x64xf32>
      %slice3A_149 = vector.extract_strided_slice %get3A_140 {offsets = [0, 320], sizes = [1, 64], strides = [1, 1]} : vector<1x512xf32> to vector<1x64xf32>
      %add3A_150 = arith.addf %add3A_148, %slice3A_149 : vector<1x64xf32>
      %slice3A_151 = vector.extract_strided_slice %get3A_140 {offsets = [0, 384], sizes = [1, 64], strides = [1, 1]} : vector<1x512xf32> to vector<1x64xf32>
      %add3A_152 = arith.addf %add3A_150, %slice3A_151 : vector<1x64xf32>
      %slice3A_153 = vector.extract_strided_slice %get3A_140 {offsets = [0, 448], sizes = [1, 64], strides = [1, 1]} : vector<1x512xf32> to vector<1x64xf32>
      %add3A_154 = arith.addf %add3A_152, %slice3A_153 : vector<1x64xf32>
      %mul3A_155 = arith.constant 1.250000e-06 : f32
      %mul3A_156 = vector.broadcast %mul3A_155 : f32 to vector<1x64xf32>
      %mul3A_157 = arith.mulf %add3A_154, %mul3A_156 : vector<1x64xf32>
      %add3A_158 = arith.addf %get3A_137, %mul3A_157 : vector<1x64xf32>
      %swap3A_159 = arith.constant 0 : index
      %swap3A_160 = arith.constant 0 : index
      %swap3A_161 = vector.load %arg14[%swap3A_159, %swap3A_160] : memref<1x64xf32, #tpu.memory_space<vmem>>, vector<1x64xf32>
      tpu.vector_store %arg14[%swap3A_159, %swap3A_160], %add3A_158 {strides = array<i32>} : memref<1x64xf32, #tpu.memory_space<vmem>>, vector<1x64xf32>,
    } else {
    }
    return
  }
  func.func @transform_0(%arg0: i32, %arg1: i32) -> (i32, i32) {
    %c0_i32 = arith.constant 0 : i32
    %c0_i32_0 = arith.constant 0 : i32
    return %arg1, %c0_i32 : i32, i32
  }
  func.func @transform_1(%arg0: i32, %arg1: i32) -> (i32, i32) {
    %c0_i32 = arith.constant 0 : i32
    %c0_i32_0 = arith.constant 0 : i32
    return %arg1, %c0_i32 : i32, i32
  }
  func.func @transform_2(%arg0: i32, %arg1: i32) -> (i32, i32) {
    %c0_i32 = arith.constant 0 : i32
    %c0_i32_0 = arith.constant 0 : i32
    %c0_i32_1 = arith.constant 0 : i32
    return %c0_i32, %c0_i32_0 : i32, i32
  }
  func.func @transform_3(%arg0: i32, %arg1: i32) -> (i32, i32) {
    %c0_i32 = arith.constant 0 : i32
    %c0_i32_0 = arith.constant 0 : i32
    %c0_i32_1 = arith.constant 0 : i32
    return %c0_i32, %c0_i32_0 : i32, i32
  }
  func.func @transform_4(%arg0: i32, %arg1: i32) -> (i32, i32) {
    %c0_i32 = arith.constant 0 : i32
    %c0_i32_0 = arith.constant 0 : i32
    %c0_i32_1 = arith.constant 0 : i32
    return %c0_i32, %c0_i32_0 : i32, i32
  }
  func.func @transform_5(%arg0: i32, %arg1: i32) -> (i32, i32) {
    %c0_i32 = arith.constant 0 : i32
    %c0_i32_0 = arith.constant 0 : i32
    %c0_i32_1 = arith.constant 0 : i32
    return %c0_i32, %c0_i32_0 : i32, i32
  }
  func.func @transform_6(%arg0: i32, %arg1: i32) -> (i32, i32) {
    %c0_i32 = arith.constant 0 : i32
    %c0_i32_0 = arith.constant 0 : i32
    %c0_i32_1 = arith.constant 0 : i32
    return %c0_i32, %c0_i32_0 : i32, i32
  }
  func.func @transform_7(%arg0: i32, %arg1: i32) -> (i32, i32) {
    %c0_i32 = arith.constant 0 : i32
    %c0_i32_0 = arith.constant 0 : i32
    %c0_i32_1 = arith.constant 0 : i32
    return %c0_i32, %c0_i32_0 : i32, i32
  }
  func.func @transform_8(%arg0: i32, %arg1: i32) -> (i32, i32, i32) {
    %c0_i32 = arith.constant 0 : i32
    %c0_i32_0 = arith.constant 0 : i32
    %c0_i32_1 = arith.constant 0 : i32
    return %arg0, %c0_i32, %c0_i32_0 : i32, i32, i32
  }
  func.func @transform_9(%arg0: i32, %arg1: i32) -> (i32, i32, i32) {
    %c0_i32 = arith.constant 0 : i32
    %c0_i32_0 = arith.constant 0 : i32
    %c0_i32_1 = arith.constant 0 : i32
    return %arg0, %c0_i32, %c0_i32_0 : i32, i32, i32
  }
  func.func @transform_10(%arg0: i32, %arg1: i32) -> (i32, i32, i32) {
    %c0_i32 = arith.constant 0 : i32
    %c0_i32_0 = arith.constant 0 : i32
    %c0_i32_1 = arith.constant 0 : i32
    return %arg0, %c0_i32, %c0_i32_0 : i32, i32, i32
  }
  func.func @transform_11(%arg0: i32, %arg1: i32) -> (i32, i32, i32) {
    %c0_i32 = arith.constant 0 : i32
    %c0_i32_0 = arith.constant 0 : i32
    %c0_i32_1 = arith.constant 0 : i32
    return %arg0, %c0_i32, %c0_i32_0 : i32, i32, i32
  }
  func.func @transform_12(%arg0: i32, %arg1: i32) -> (i32, i32) {
    %c0_i32 = arith.constant 0 : i32
    %c0_i32_0 = arith.constant 0 : i32
    %c0_i32_1 = arith.constant 0 : i32
    return %c0_i32, %c0_i32_0 : i32, i32
  }
}

module attributes {stable_mosaic.version = 14 : i64} {
  func.func @_affinity_body(%arg0: i32, %arg1: memref<5000x8xf32, #tpu.memory_space<vmem>>, %arg2: memref<1x64xf32, #tpu.memory_space<vmem>>, %arg3: memref<8x64xf32, #tpu.memory_space<vmem>>, %arg4: memref<1x64xf32, #tpu.memory_space<vmem>>, %arg5: memref<64x64xf32, #tpu.memory_space<vmem>>, %arg6: memref<1x64xf32, #tpu.memory_space<vmem>>, %arg7: memref<64x64xf32, #tpu.memory_space<vmem>>, %arg8: memref<64x64xf32, #tpu.memory_space<vmem>>, %arg9: memref<64x64xf32, #tpu.memory_space<vmem>>, %arg10: memref<1x64xf32, #tpu.memory_space<vmem>>, %arg11: memref<64x8xf32, #tpu.memory_space<vmem>>, %arg12: memref<1x8xf32, #tpu.memory_space<vmem>>, %arg13: memref<5000x2xf32, #tpu.memory_space<vmem>>, %arg14: memref<8x64xf32, #tpu.memory_space<vmem>>, %arg15: memref<1x64xf32, #tpu.memory_space<vmem>>) attributes {dimension_semantics = [#tpu.dimension_semantics<arbitrary>], iteration_bounds = array<i64: 10>, scalar_prefetch = 0 : i64, scratch_operands = 2 : i64, tpu.core_type = #tpu.core_type<tc>, window_params = [{transform_indices = @transform_0, window_bounds = array<i64: 5000, 8>}, {pipeline_mode = #tpu.pipeline_mode<synchronous>, transform_indices = @transform_1, window_bounds = array<i64: 1, 64>}, {pipeline_mode = #tpu.pipeline_mode<synchronous>, transform_indices = @transform_2, window_bounds = array<i64: 8, 64>}, {pipeline_mode = #tpu.pipeline_mode<synchronous>, transform_indices = @transform_3, window_bounds = array<i64: 1, 64>}, {pipeline_mode = #tpu.pipeline_mode<synchronous>, transform_indices = @transform_4, window_bounds = array<i64: 64, 64>}, {pipeline_mode = #tpu.pipeline_mode<synchronous>, transform_indices = @transform_5, window_bounds = array<i64: 1, 64>}, {pipeline_mode = #tpu.pipeline_mode<synchronous>, transform_indices = @transform_6, window_bounds = array<i64: 64, 64>}, {pipeline_mode = #tpu.pipeline_mode<synchronous>, transform_indices = @transform_7, window_bounds = array<i64: 64, 64>}, {pipeline_mode = #tpu.pipeline_mode<synchronous>, transform_indices = @transform_8, window_bounds = array<i64: 64, 64>}, {pipeline_mode = #tpu.pipeline_mode<synchronous>, transform_indices = @transform_9, window_bounds = array<i64: 1, 64>}, {pipeline_mode = #tpu.pipeline_mode<synchronous>, transform_indices = @transform_10, window_bounds = array<i64: 64, 8>}, {pipeline_mode = #tpu.pipeline_mode<synchronous>, transform_indices = @transform_11, window_bounds = array<i64: 1, 8>}, {transform_indices = @transform_12, window_bounds = array<i64: 5000, 2>}]} {
    %eq3A = arith.constant 0 : i32
    %eq3A_0 = arith.cmpi eq, %arg0, %eq3A : i32
    %convert_element_type3A = arith.extui %eq3A_0 : i1 to i32
    %cond3A = arith.constant 0 : i32
    %cond3A_1 = arith.cmpi ne, %convert_element_type3A, %cond3A : i32
    scf.if %cond3A_1 {
      %get3A_118 = arith.constant 0 : index
      %get3A_119 = arith.constant 0 : index
      %get3A_120 = vector.load %arg1[%get3A_118, %get3A_119] : memref<5000x8xf32, #tpu.memory_space<vmem>>, vector<8x8xf32>
      %get3A_121 = arith.constant 0 : index
      %get3A_122 = arith.constant 0 : index
      %get3A_123 = vector.load %arg3[%get3A_121, %get3A_122] : memref<8x64xf32, #tpu.memory_space<vmem>>, vector<8x64xf32>
      %convert_element_type3A_124 = arith.truncf %get3A_120 : vector<8x8xf32> to vector<8x8xbf16>
      %convert_element_type3A_125 = arith.extf %convert_element_type3A_124 : vector<8x8xbf16> to vector<8x8xf32>
      %sub3A_126 = arith.subf %get3A_120, %convert_element_type3A_125 : vector<8x8xf32>
      %convert_element_type3A_127 = arith.truncf %sub3A_126 : vector<8x8xf32> to vector<8x8xbf16>
      %convert_element_type3A_128 = arith.truncf %get3A_123 : vector<8x64xf32> to vector<8x64xbf16>
      %convert_element_type3A_129 = arith.extf %convert_element_type3A_128 : vector<8x64xbf16> to vector<8x64xf32>
      %sub3A_130 = arith.subf %get3A_123, %convert_element_type3A_129 : vector<8x64xf32>
      %convert_element_type3A_131 = arith.truncf %sub3A_130 : vector<8x64xf32> to vector<8x64xbf16>
      %dot_general3A_132 = arith.constant dense<0.000000e+00> : vector<8x64xf32>
      %dot_general3A_133 = tpu.matmul %convert_element_type3A_127, %convert_element_type3A_128, %dot_general3A_132 {dimension_numbers = #tpu.dot_dimension_numbers<[1], [0], [0], [1], [0, 0, 1, 1], [], []>, transpose_lhs_hint = false} : vector<8x8xbf16>, vector<8x64xbf16>, vector<8x64xf32> -> vector<8x64xf32>
      %dot_general3A_134 = arith.constant dense<0.000000e+00> : vector<8x64xf32>
      %dot_general3A_135 = tpu.matmul %convert_element_type3A_124, %convert_element_type3A_131, %dot_general3A_134 {dimension_numbers = #tpu.dot_dimension_numbers<[1], [0], [0], [1], [0, 0, 1, 1], [], []>, transpose_lhs_hint = false} : vector<8x8xbf16>, vector<8x64xbf16>, vector<8x64xf32> -> vector<8x64xf32>
      %add3A_136 = arith.addf %dot_general3A_133, %dot_general3A_135 : vector<8x64xf32>
      %dot_general3A_137 = arith.constant dense<0.000000e+00> : vector<8x64xf32>
      %dot_general3A_138 = tpu.matmul %convert_element_type3A_124, %convert_element_type3A_128, %dot_general3A_137 {dimension_numbers = #tpu.dot_dimension_numbers<[1], [0], [0], [1], [0, 0, 1, 1], [], []>, transpose_lhs_hint = false} : vector<8x8xbf16>, vector<8x64xbf16>, vector<8x64xf32> -> vector<8x64xf32>
      %add3A_139 = arith.addf %add3A_136, %dot_general3A_138 : vector<8x64xf32>
      %get3A_140 = arith.constant 0 : index
      %get3A_141 = arith.constant 0 : index
      %get3A_142 = vector.load %arg4[%get3A_140, %get3A_141] : memref<1x64xf32, #tpu.memory_space<vmem>>, vector<1x64xf32>
      %add3A_143 = vector.broadcast %get3A_142 : vector<1x64xf32> to vector<8x64xf32>
      %add3A_144 = arith.addf %add3A_139, %add3A_143 : vector<8x64xf32>
      %max3A_145 = arith.constant 0.000000e+00 : f32
      %max3A_146 = vector.broadcast %max3A_145 : f32 to vector<8x64xf32>
      %max3A_147 = arith.maximumf %add3A_144, %max3A_146 : vector<8x64xf32>
      %get3A_148 = arith.constant 0 : index
      %get3A_149 = arith.constant 0 : index
      %get3A_150 = vector.load %arg5[%get3A_148, %get3A_149] : memref<64x64xf32, #tpu.memory_space<vmem>>, vector<64x64xf32>
      %convert_element_type3A_151 = arith.truncf %max3A_147 : vector<8x64xf32> to vector<8x64xbf16>
      %convert_element_type3A_152 = arith.extf %convert_element_type3A_151 : vector<8x64xbf16> to vector<8x64xf32>
      %sub3A_153 = arith.subf %max3A_147, %convert_element_type3A_152 : vector<8x64xf32>
      %convert_element_type3A_154 = arith.truncf %sub3A_153 : vector<8x64xf32> to vector<8x64xbf16>
      %convert_element_type3A_155 = arith.truncf %get3A_150 : vector<64x64xf32> to vector<64x64xbf16>
      %convert_element_type3A_156 = arith.extf %convert_element_type3A_155 : vector<64x64xbf16> to vector<64x64xf32>
      %sub3A_157 = arith.subf %get3A_150, %convert_element_type3A_156 : vector<64x64xf32>
      %convert_element_type3A_158 = arith.truncf %sub3A_157 : vector<64x64xf32> to vector<64x64xbf16>
      %dot_general3A_159 = arith.constant dense<0.000000e+00> : vector<8x64xf32>
      %dot_general3A_160 = tpu.matmul %convert_element_type3A_154, %convert_element_type3A_155, %dot_general3A_159 {dimension_numbers = #tpu.dot_dimension_numbers<[1], [0], [0], [1], [0, 0, 1, 1], [], []>, transpose_lhs_hint = false} : vector<8x64xbf16>, vector<64x64xbf16>, vector<8x64xf32> -> vector<8x64xf32>
      %dot_general3A_161 = arith.constant dense<0.000000e+00> : vector<8x64xf32>
      %dot_general3A_162 = tpu.matmul %convert_element_type3A_151, %convert_element_type3A_158, %dot_general3A_161 {dimension_numbers = #tpu.dot_dimension_numbers<[1], [0], [0], [1], [0, 0, 1, 1], [], []>, transpose_lhs_hint = false} : vector<8x64xbf16>, vector<64x64xbf16>, vector<8x64xf32> -> vector<8x64xf32>
      %add3A_163 = arith.addf %dot_general3A_160, %dot_general3A_162 : vector<8x64xf32>
      %dot_general3A_164 = arith.constant dense<0.000000e+00> : vector<8x64xf32>
      %dot_general3A_165 = tpu.matmul %convert_element_type3A_151, %convert_element_type3A_155, %dot_general3A_164 {dimension_numbers = #tpu.dot_dimension_numbers<[1], [0], [0], [1], [0, 0, 1, 1], [], []>, transpose_lhs_hint = false} : vector<8x64xbf16>, vector<64x64xbf16>, vector<8x64xf32> -> vector<8x64xf32>
      %add3A_166 = arith.addf %add3A_163, %dot_general3A_165 : vector<8x64xf32>
      %get3A_167 = arith.constant 0 : index
      %get3A_168 = arith.constant 0 : index
      %get3A_169 = vector.load %arg6[%get3A_167, %get3A_168] : memref<1x64xf32, #tpu.memory_space<vmem>>, vector<1x64xf32>
      %add3A_170 = vector.broadcast %get3A_169 : vector<1x64xf32> to vector<8x64xf32>
      %add3A_171 = arith.addf %add3A_166, %add3A_170 : vector<8x64xf32>
      %get3A_172 = arith.constant 0 : index
      %get3A_173 = arith.constant 0 : index
      %get3A_174 = vector.load %arg2[%get3A_172, %get3A_173] : memref<1x64xf32, #tpu.memory_space<vmem>>, vector<1x64xf32>
      %add3A_175 = vector.broadcast %get3A_174 : vector<1x64xf32> to vector<8x64xf32>
      %add3A_176 = arith.addf %add3A_171, %add3A_175 : vector<8x64xf32>
      %get3A_177 = arith.constant 0 : index
      %get3A_178 = arith.constant 0 : index
      %get3A_179 = vector.load %arg7[%get3A_177, %get3A_178] : memref<64x64xf32, #tpu.memory_space<vmem>>, vector<64x64xf32>
      %convert_element_type3A_180 = arith.truncf %add3A_176 : vector<8x64xf32> to vector<8x64xbf16>
      %convert_element_type3A_181 = arith.extf %convert_element_type3A_180 : vector<8x64xbf16> to vector<8x64xf32>
      %sub3A_182 = arith.subf %add3A_176, %convert_element_type3A_181 : vector<8x64xf32>
      %convert_element_type3A_183 = arith.truncf %sub3A_182 : vector<8x64xf32> to vector<8x64xbf16>
      %convert_element_type3A_184 = arith.truncf %get3A_179 : vector<64x64xf32> to vector<64x64xbf16>
      %convert_element_type3A_185 = arith.extf %convert_element_type3A_184 : vector<64x64xbf16> to vector<64x64xf32>
      %sub3A_186 = arith.subf %get3A_179, %convert_element_type3A_185 : vector<64x64xf32>
      %convert_element_type3A_187 = arith.truncf %sub3A_186 : vector<64x64xf32> to vector<64x64xbf16>
      %dot_general3A_188 = arith.constant dense<0.000000e+00> : vector<8x64xf32>
      %dot_general3A_189 = tpu.matmul %convert_element_type3A_183, %convert_element_type3A_184, %dot_general3A_188 {dimension_numbers = #tpu.dot_dimension_numbers<[1], [0], [0], [1], [0, 0, 1, 1], [], []>, transpose_lhs_hint = false} : vector<8x64xbf16>, vector<64x64xbf16>, vector<8x64xf32> -> vector<8x64xf32>
      %dot_general3A_190 = arith.constant dense<0.000000e+00> : vector<8x64xf32>
      %dot_general3A_191 = tpu.matmul %convert_element_type3A_180, %convert_element_type3A_187, %dot_general3A_190 {dimension_numbers = #tpu.dot_dimension_numbers<[1], [0], [0], [1], [0, 0, 1, 1], [], []>, transpose_lhs_hint = false} : vector<8x64xbf16>, vector<64x64xbf16>, vector<8x64xf32> -> vector<8x64xf32>
      %add3A_192 = arith.addf %dot_general3A_189, %dot_general3A_191 : vector<8x64xf32>
      %dot_general3A_193 = arith.constant dense<0.000000e+00> : vector<8x64xf32>
      %dot_general3A_194 = tpu.matmul %convert_element_type3A_180, %convert_element_type3A_184, %dot_general3A_193 {dimension_numbers = #tpu.dot_dimension_numbers<[1], [0], [0], [1], [0, 0, 1, 1], [], []>, transpose_lhs_hint = false} : vector<8x64xbf16>, vector<64x64xbf16>, vector<8x64xf32> -> vector<8x64xf32>
      %add3A_195 = arith.addf %add3A_192, %dot_general3A_194 : vector<8x64xf32>
      %swap3A_196 = arith.constant 0 : index
      %swap3A_197 = arith.constant 0 : index
      %swap3A_198 = vector.load %arg14[%swap3A_196, %swap3A_197] : memref<8x64xf32, #tpu.memory_space<vmem>>, vector<8x64xf32>
      tpu.vector_store %arg14[%swap3A_196, %swap3A_197], %add3A_195 {strides = array<i32>} : memref<8x64xf32, #tpu.memory_space<vmem>>, vector<8x64xf32>,
      %get3A_199 = arith.constant 0 : index
      %get3A_200 = arith.constant 0 : index
      %get3A_201 = vector.load %arg10[%get3A_199, %get3A_200] : memref<1x64xf32, #tpu.memory_space<vmem>>, vector<1x64xf32>
      %get3A_202 = arith.constant 0 : index
      %get3A_203 = arith.constant 0 : index
      %get3A_204 = vector.load %arg2[%get3A_202, %get3A_203] : memref<1x64xf32, #tpu.memory_space<vmem>>, vector<1x64xf32>
      %get3A_205 = arith.constant 0 : index
      %get3A_206 = arith.constant 0 : index
      %get3A_207 = vector.load %arg8[%get3A_205, %get3A_206] : memref<64x64xf32, #tpu.memory_space<vmem>>, vector<64x64xf32>
      %convert_element_type3A_208 = arith.truncf %get3A_204 : vector<1x64xf32> to vector<1x64xbf16>
      %convert_element_type3A_209 = arith.extf %convert_element_type3A_208 : vector<1x64xbf16> to vector<1x64xf32>
      %sub3A_210 = arith.subf %get3A_204, %convert_element_type3A_209 : vector<1x64xf32>
      %convert_element_type3A_211 = arith.truncf %sub3A_210 : vector<1x64xf32> to vector<1x64xbf16>
      %convert_element_type3A_212 = arith.truncf %get3A_207 : vector<64x64xf32> to vector<64x64xbf16>
      %convert_element_type3A_213 = arith.extf %convert_element_type3A_212 : vector<64x64xbf16> to vector<64x64xf32>
      %sub3A_214 = arith.subf %get3A_207, %convert_element_type3A_213 : vector<64x64xf32>
      %convert_element_type3A_215 = arith.truncf %sub3A_214 : vector<64x64xf32> to vector<64x64xbf16>
      %dot_general3A_216 = arith.constant dense<0.000000e+00> : vector<1x64xf32>
      %dot_general3A_217 = tpu.matmul %convert_element_type3A_211, %convert_element_type3A_212, %dot_general3A_216 {dimension_numbers = #tpu.dot_dimension_numbers<[1], [0], [0], [1], [0, 0, 1, 1], [], []>, transpose_lhs_hint = false} : vector<1x64xbf16>, vector<64x64xbf16>, vector<1x64xf32> -> vector<1x64xf32>
      %dot_general3A_218 = arith.constant dense<0.000000e+00> : vector<1x64xf32>
      %dot_general3A_219 = tpu.matmul %convert_element_type3A_208, %convert_element_type3A_215, %dot_general3A_218 {dimension_numbers = #tpu.dot_dimension_numbers<[1], [0], [0], [1], [0, 0, 1, 1], [], []>, transpose_lhs_hint = false} : vector<1x64xbf16>, vector<64x64xbf16>, vector<1x64xf32> -> vector<1x64xf32>
      %add3A_220 = arith.addf %dot_general3A_217, %dot_general3A_219 : vector<1x64xf32>
      %dot_general3A_221 = arith.constant dense<0.000000e+00> : vector<1x64xf32>
      %dot_general3A_222 = tpu.matmul %convert_element_type3A_208, %convert_element_type3A_212, %dot_general3A_221 {dimension_numbers = #tpu.dot_dimension_numbers<[1], [0], [0], [1], [0, 0, 1, 1], [], []>, transpose_lhs_hint = false} : vector<1x64xbf16>, vector<64x64xbf16>, vector<1x64xf32> -> vector<1x64xf32>
      %add3A_223 = arith.addf %add3A_220, %dot_general3A_222 : vector<1x64xf32>
      %add3A_224 = arith.addf %get3A_201, %add3A_223 : vector<1x64xf32>
      %swap3A_225 = arith.constant 0 : index
      %swap3A_226 = arith.constant 0 : index
      %swap3A_227 = vector.load %arg15[%swap3A_225, %swap3A_226] : memref<1x64xf32, #tpu.memory_space<vmem>>, vector<1x64xf32>
      tpu.vector_store %arg15[%swap3A_225, %swap3A_226], %add3A_224 {strides = array<i32>} : memref<1x64xf32, #tpu.memory_space<vmem>>, vector<1x64xf32>,
    } else {
    }
    %get3A = arith.constant 0 : index
    %get3A_2 = arith.constant 0 : index
    %get3A_3 = vector.load %arg1[%get3A, %get3A_2] : memref<5000x8xf32, #tpu.memory_space<vmem>>, vector<5000x8xf32>
    %get3A_4 = arith.constant 0 : index
    %get3A_5 = arith.constant 0 : index
    %get3A_6 = vector.load %arg3[%get3A_4, %get3A_5] : memref<8x64xf32, #tpu.memory_space<vmem>>, vector<8x64xf32>
    %convert_element_type3A_7 = arith.truncf %get3A_3 : vector<5000x8xf32> to vector<5000x8xbf16>
    %convert_element_type3A_8 = arith.extf %convert_element_type3A_7 : vector<5000x8xbf16> to vector<5000x8xf32>
    %sub3A = arith.subf %get3A_3, %convert_element_type3A_8 : vector<5000x8xf32>
    %convert_element_type3A_9 = arith.truncf %sub3A : vector<5000x8xf32> to vector<5000x8xbf16>
    %convert_element_type3A_10 = arith.truncf %get3A_6 : vector<8x64xf32> to vector<8x64xbf16>
    %convert_element_type3A_11 = arith.extf %convert_element_type3A_10 : vector<8x64xbf16> to vector<8x64xf32>
    %sub3A_12 = arith.subf %get3A_6, %convert_element_type3A_11 : vector<8x64xf32>
    %convert_element_type3A_13 = arith.truncf %sub3A_12 : vector<8x64xf32> to vector<8x64xbf16>
    %dot_general3A = arith.constant dense<0.000000e+00> : vector<5000x64xf32>
    %dot_general3A_14 = tpu.matmul %convert_element_type3A_9, %convert_element_type3A_10, %dot_general3A {dimension_numbers = #tpu.dot_dimension_numbers<[1], [0], [0], [1], [0, 0, 1, 1], [], []>, transpose_lhs_hint = false} : vector<5000x8xbf16>, vector<8x64xbf16>, vector<5000x64xf32> -> vector<5000x64xf32>
    %dot_general3A_15 = arith.constant dense<0.000000e+00> : vector<5000x64xf32>
    %dot_general3A_16 = tpu.matmul %convert_element_type3A_7, %convert_element_type3A_13, %dot_general3A_15 {dimension_numbers = #tpu.dot_dimension_numbers<[1], [0], [0], [1], [0, 0, 1, 1], [], []>, transpose_lhs_hint = false} : vector<5000x8xbf16>, vector<8x64xbf16>, vector<5000x64xf32> -> vector<5000x64xf32>
    %add3A = arith.addf %dot_general3A_14, %dot_general3A_16 : vector<5000x64xf32>
    %dot_general3A_17 = arith.constant dense<0.000000e+00> : vector<5000x64xf32>
    %dot_general3A_18 = tpu.matmul %convert_element_type3A_7, %convert_element_type3A_10, %dot_general3A_17 {dimension_numbers = #tpu.dot_dimension_numbers<[1], [0], [0], [1], [0, 0, 1, 1], [], []>, transpose_lhs_hint = false} : vector<5000x8xbf16>, vector<8x64xbf16>, vector<5000x64xf32> -> vector<5000x64xf32>
    %add3A_19 = arith.addf %add3A, %dot_general3A_18 : vector<5000x64xf32>
    %get3A_20 = arith.constant 0 : index
    %get3A_21 = arith.constant 0 : index
    %get3A_22 = vector.load %arg4[%get3A_20, %get3A_21] : memref<1x64xf32, #tpu.memory_space<vmem>>, vector<1x64xf32>
    %add3A_23 = vector.broadcast %get3A_22 : vector<1x64xf32> to vector<5000x64xf32>
    %add3A_24 = arith.addf %add3A_19, %add3A_23 : vector<5000x64xf32>
    %max3A = arith.constant 0.000000e+00 : f32
    %max3A_25 = vector.broadcast %max3A : f32 to vector<5000x64xf32>
    %max3A_26 = arith.maximumf %add3A_24, %max3A_25 : vector<5000x64xf32>
    %get3A_27 = arith.constant 0 : index
    %get3A_28 = arith.constant 0 : index
    %get3A_29 = vector.load %arg9[%get3A_27, %get3A_28] : memref<64x64xf32, #tpu.memory_space<vmem>>, vector<64x64xf32>
    %convert_element_type3A_30 = arith.truncf %max3A_26 : vector<5000x64xf32> to vector<5000x64xbf16>
    %convert_element_type3A_31 = arith.extf %convert_element_type3A_30 : vector<5000x64xbf16> to vector<5000x64xf32>
    %sub3A_32 = arith.subf %max3A_26, %convert_element_type3A_31 : vector<5000x64xf32>
    %convert_element_type3A_33 = arith.truncf %sub3A_32 : vector<5000x64xf32> to vector<5000x64xbf16>
    %convert_element_type3A_34 = arith.truncf %get3A_29 : vector<64x64xf32> to vector<64x64xbf16>
    %convert_element_type3A_35 = arith.extf %convert_element_type3A_34 : vector<64x64xbf16> to vector<64x64xf32>
    %sub3A_36 = arith.subf %get3A_29, %convert_element_type3A_35 : vector<64x64xf32>
    %convert_element_type3A_37 = arith.truncf %sub3A_36 : vector<64x64xf32> to vector<64x64xbf16>
    %dot_general3A_38 = arith.constant dense<0.000000e+00> : vector<5000x64xf32>
    %dot_general3A_39 = tpu.matmul %convert_element_type3A_33, %convert_element_type3A_34, %dot_general3A_38 {dimension_numbers = #tpu.dot_dimension_numbers<[1], [0], [0], [1], [0, 0, 1, 1], [], []>, transpose_lhs_hint = false} : vector<5000x64xbf16>, vector<64x64xbf16>, vector<5000x64xf32> -> vector<5000x64xf32>
    %dot_general3A_40 = arith.constant dense<0.000000e+00> : vector<5000x64xf32>
    %dot_general3A_41 = tpu.matmul %convert_element_type3A_30, %convert_element_type3A_37, %dot_general3A_40 {dimension_numbers = #tpu.dot_dimension_numbers<[1], [0], [0], [1], [0, 0, 1, 1], [], []>, transpose_lhs_hint = false} : vector<5000x64xbf16>, vector<64x64xbf16>, vector<5000x64xf32> -> vector<5000x64xf32>
    %add3A_42 = arith.addf %dot_general3A_39, %dot_general3A_41 : vector<5000x64xf32>
    %dot_general3A_43 = arith.constant dense<0.000000e+00> : vector<5000x64xf32>
    %dot_general3A_44 = tpu.matmul %convert_element_type3A_30, %convert_element_type3A_34, %dot_general3A_43 {dimension_numbers = #tpu.dot_dimension_numbers<[1], [0], [0], [1], [0, 0, 1, 1], [], []>, transpose_lhs_hint = false} : vector<5000x64xbf16>, vector<64x64xbf16>, vector<5000x64xf32> -> vector<5000x64xf32>
    %add3A_45 = arith.addf %add3A_42, %dot_general3A_44 : vector<5000x64xf32>
    %get3A_46 = arith.constant 0 : index
    %get3A_47 = arith.constant 0 : index
    %get3A_48 = vector.load %arg15[%get3A_46, %get3A_47] : memref<1x64xf32, #tpu.memory_space<vmem>>, vector<1x64xf32>
    %add3A_49 = vector.broadcast %get3A_48 : vector<1x64xf32> to vector<5000x64xf32>
    %add3A_50 = arith.addf %add3A_45, %add3A_49 : vector<5000x64xf32>
    %get3A_51 = arith.constant 0 : index
    %get3A_52 = arith.constant 0 : index
    %get3A_53 = vector.load %arg14[%get3A_51, %get3A_52] : memref<8x64xf32, #tpu.memory_space<vmem>>, vector<1x64xf32>
    %add3A_54 = vector.broadcast %get3A_53 : vector<1x64xf32> to vector<5000x64xf32>
    %add3A_55 = arith.addf %add3A_50, %add3A_54 : vector<5000x64xf32>
    %max3A_56 = arith.constant 0.000000e+00 : f32
    %max3A_57 = vector.broadcast %max3A_56 : f32 to vector<5000x64xf32>
    %max3A_58 = arith.maximumf %add3A_55, %max3A_57 : vector<5000x64xf32>
    %get3A_59 = arith.constant 0 : index
    %get3A_60 = arith.constant 0 : index
    %get3A_61 = vector.load %arg11[%get3A_59, %get3A_60] : memref<64x8xf32, #tpu.memory_space<vmem>>, vector<64x8xf32>
    %convert_element_type3A_62 = arith.truncf %max3A_58 : vector<5000x64xf32> to vector<5000x64xbf16>
    %convert_element_type3A_63 = arith.extf %convert_element_type3A_62 : vector<5000x64xbf16> to vector<5000x64xf32>
    %sub3A_64 = arith.subf %max3A_58, %convert_element_type3A_63 : vector<5000x64xf32>
    %convert_element_type3A_65 = arith.truncf %sub3A_64 : vector<5000x64xf32> to vector<5000x64xbf16>
    %convert_element_type3A_66 = arith.truncf %get3A_61 : vector<64x8xf32> to vector<64x8xbf16>
    %convert_element_type3A_67 = arith.extf %convert_element_type3A_66 : vector<64x8xbf16> to vector<64x8xf32>
    %sub3A_68 = arith.subf %get3A_61, %convert_element_type3A_67 : vector<64x8xf32>
    %convert_element_type3A_69 = arith.truncf %sub3A_68 : vector<64x8xf32> to vector<64x8xbf16>
    %dot_general3A_70 = arith.constant dense<0.000000e+00> : vector<5000x8xf32>
    %dot_general3A_71 = tpu.matmul %convert_element_type3A_65, %convert_element_type3A_66, %dot_general3A_70 {dimension_numbers = #tpu.dot_dimension_numbers<[1], [0], [0], [1], [0, 0, 1, 1], [], []>, transpose_lhs_hint = false} : vector<5000x64xbf16>, vector<64x8xbf16>, vector<5000x8xf32> -> vector<5000x8xf32>
    %dot_general3A_72 = arith.constant dense<0.000000e+00> : vector<5000x8xf32>
    %dot_general3A_73 = tpu.matmul %convert_element_type3A_62, %convert_element_type3A_69, %dot_general3A_72 {dimension_numbers = #tpu.dot_dimension_numbers<[1], [0], [0], [1], [0, 0, 1, 1], [], []>, transpose_lhs_hint = false} : vector<5000x64xbf16>, vector<64x8xbf16>, vector<5000x8xf32> -> vector<5000x8xf32>
    %add3A_74 = arith.addf %dot_general3A_71, %dot_general3A_73 : vector<5000x8xf32>
    %dot_general3A_75 = arith.constant dense<0.000000e+00> : vector<5000x8xf32>
    %dot_general3A_76 = tpu.matmul %convert_element_type3A_62, %convert_element_type3A_66, %dot_general3A_75 {dimension_numbers = #tpu.dot_dimension_numbers<[1], [0], [0], [1], [0, 0, 1, 1], [], []>, transpose_lhs_hint = false} : vector<5000x64xbf16>, vector<64x8xbf16>, vector<5000x8xf32> -> vector<5000x8xf32>
    %add3A_77 = arith.addf %add3A_74, %dot_general3A_76 : vector<5000x8xf32>
    %get3A_78 = arith.constant 0 : index
    %get3A_79 = arith.constant 0 : index
    %get3A_80 = vector.load %arg12[%get3A_78, %get3A_79] : memref<1x8xf32, #tpu.memory_space<vmem>>, vector<1x8xf32>
    %add3A_81 = vector.broadcast %get3A_80 : vector<1x8xf32> to vector<5000x8xf32>
    %add3A_82 = arith.addf %add3A_77, %add3A_81 : vector<5000x8xf32>
    %get3A_83 = arith.constant 1 : index
    %get3A_84 = arith.constant 0 : index
    %get3A_85 = vector.load %arg14[%get3A_83, %get3A_84] : memref<8x64xf32, #tpu.memory_space<vmem>>, vector<1x64xf32>
    %add3A_86 = vector.broadcast %get3A_85 : vector<1x64xf32> to vector<5000x64xf32>
    %add3A_87 = arith.addf %add3A_50, %add3A_86 : vector<5000x64xf32>
    %max3A_88 = arith.constant 0.000000e+00 : f32
    %max3A_89 = vector.broadcast %max3A_88 : f32 to vector<5000x64xf32>
    %max3A_90 = arith.maximumf %add3A_87, %max3A_89 : vector<5000x64xf32>
    %get3A_91 = arith.constant 0 : index
    %get3A_92 = arith.constant 0 : index
    %get3A_93 = vector.load %arg11[%get3A_91, %get3A_92] : memref<64x8xf32, #tpu.memory_space<vmem>>, vector<64x8xf32>
    %convert_element_type3A_94 = arith.truncf %max3A_90 : vector<5000x64xf32> to vector<5000x64xbf16>
    %convert_element_type3A_95 = arith.extf %convert_element_type3A_94 : vector<5000x64xbf16> to vector<5000x64xf32>
    %sub3A_96 = arith.subf %max3A_90, %convert_element_type3A_95 : vector<5000x64xf32>
    %convert_element_type3A_97 = arith.truncf %sub3A_96 : vector<5000x64xf32> to vector<5000x64xbf16>
    %convert_element_type3A_98 = arith.truncf %get3A_93 : vector<64x8xf32> to vector<64x8xbf16>
    %convert_element_type3A_99 = arith.extf %convert_element_type3A_98 : vector<64x8xbf16> to vector<64x8xf32>
    %sub3A_100 = arith.subf %get3A_93, %convert_element_type3A_99 : vector<64x8xf32>
    %convert_element_type3A_101 = arith.truncf %sub3A_100 : vector<64x8xf32> to vector<64x8xbf16>
    %dot_general3A_102 = arith.constant dense<0.000000e+00> : vector<5000x8xf32>
    %dot_general3A_103 = tpu.matmul %convert_element_type3A_97, %convert_element_type3A_98, %dot_general3A_102 {dimension_numbers = #tpu.dot_dimension_numbers<[1], [0], [0], [1], [0, 0, 1, 1], [], []>, transpose_lhs_hint = false} : vector<5000x64xbf16>, vector<64x8xbf16>, vector<5000x8xf32> -> vector<5000x8xf32>
    %dot_general3A_104 = arith.constant dense<0.000000e+00> : vector<5000x8xf32>
    %dot_general3A_105 = tpu.matmul %convert_element_type3A_94, %convert_element_type3A_101, %dot_general3A_104 {dimension_numbers = #tpu.dot_dimension_numbers<[1], [0], [0], [1], [0, 0, 1, 1], [], []>, transpose_lhs_hint = false} : vector<5000x64xbf16>, vector<64x8xbf16>, vector<5000x8xf32> -> vector<5000x8xf32>
    %add3A_106 = arith.addf %dot_general3A_103, %dot_general3A_105 : vector<5000x8xf32>
    %dot_general3A_107 = arith.constant dense<0.000000e+00> : vector<5000x8xf32>
    %dot_general3A_108 = tpu.matmul %convert_element_type3A_94, %convert_element_type3A_98, %dot_general3A_107 {dimension_numbers = #tpu.dot_dimension_numbers<[1], [0], [0], [1], [0, 0, 1, 1], [], []>, transpose_lhs_hint = false} : vector<5000x64xbf16>, vector<64x8xbf16>, vector<5000x8xf32> -> vector<5000x8xf32>
    %add3A_109 = arith.addf %add3A_106, %dot_general3A_108 : vector<5000x8xf32>
    %get3A_110 = arith.constant 0 : index
    %get3A_111 = arith.constant 0 : index
    %get3A_112 = vector.load %arg12[%get3A_110, %get3A_111] : memref<1x8xf32, #tpu.memory_space<vmem>>, vector<1x8xf32>
    %add3A_113 = vector.broadcast %get3A_112 : vector<1x8xf32> to vector<5000x8xf32>
    %add3A_114 = arith.addf %add3A_109, %add3A_113 : vector<5000x8xf32>
    %slice3A = vector.extract_strided_slice %add3A_82 {offsets = [0, 0], sizes = [5000, 1], strides = [1, 1]} : vector<5000x8xf32> to vector<5000x1xf32>
    %slice3A_115 = vector.extract_strided_slice %add3A_114 {offsets = [0, 0], sizes = [5000, 1], strides = [1, 1]} : vector<5000x8xf32> to vector<5000x1xf32>
    %concatenate3A = tpu.concatenate %slice3A, %slice3A_115 in 1 : vector<5000x1xf32>, vector<5000x1xf32> -> vector<5000x2xf32>
    %swap3A = arith.constant 0 : index
    %swap3A_116 = arith.constant 0 : index
    %swap3A_117 = vector.load %arg13[%swap3A, %swap3A_116] : memref<5000x2xf32, #tpu.memory_space<vmem>>, vector<5000x2xf32>
    tpu.vector_store %arg13[%swap3A, %swap3A_116], %concatenate3A {strides = array<i32>} : memref<5000x2xf32, #tpu.memory_space<vmem>>, vector<5000x2xf32>,
    return
  }
  func.func @transform_0(%arg0: i32) -> (i32, i32) {
    %c0_i32 = arith.constant 0 : i32
    %c0_i32_0 = arith.constant 0 : i32
    return %arg0, %c0_i32 : i32, i32
  }
  func.func @transform_1(%arg0: i32) -> (i32, i32) {
    %c0_i32 = arith.constant 0 : i32
    %c0_i32_0 = arith.constant 0 : i32
    %c0_i32_1 = arith.constant 0 : i32
    return %c0_i32, %c0_i32_0 : i32, i32
  }
  func.func @transform_2(%arg0: i32) -> (i32, i32) {
    %c0_i32 = arith.constant 0 : i32
    %c0_i32_0 = arith.constant 0 : i32
    %c0_i32_1 = arith.constant 0 : i32
    return %c0_i32, %c0_i32_0 : i32, i32
  }
  func.func @transform_3(%arg0: i32) -> (i32, i32) {
    %c0_i32 = arith.constant 0 : i32
    %c0_i32_0 = arith.constant 0 : i32
    %c0_i32_1 = arith.constant 0 : i32
    return %c0_i32, %c0_i32_0 : i32, i32
  }
  func.func @transform_4(%arg0: i32) -> (i32, i32) {
    %c0_i32 = arith.constant 0 : i32
    %c0_i32_0 = arith.constant 0 : i32
    %c0_i32_1 = arith.constant 0 : i32
    return %c0_i32, %c0_i32_0 : i32, i32
  }
  func.func @transform_5(%arg0: i32) -> (i32, i32) {
    %c0_i32 = arith.constant 0 : i32
    %c0_i32_0 = arith.constant 0 : i32
    %c0_i32_1 = arith.constant 0 : i32
    return %c0_i32, %c0_i32_0 : i32, i32
  }
  func.func @transform_6(%arg0: i32) -> (i32, i32) {
    %c0_i32 = arith.constant 0 : i32
    %c0_i32_0 = arith.constant 0 : i32
    %c0_i32_1 = arith.constant 0 : i32
    return %c0_i32, %c0_i32_0 : i32, i32
  }
  func.func @transform_7(%arg0: i32) -> (i32, i32) {
    %c0_i32 = arith.constant 0 : i32
    %c0_i32_0 = arith.constant 0 : i32
    %c0_i32_1 = arith.constant 0 : i32
    return %c0_i32, %c0_i32_0 : i32, i32
  }
  func.func @transform_8(%arg0: i32) -> (i32, i32) {
    %c0_i32 = arith.constant 0 : i32
    %c0_i32_0 = arith.constant 0 : i32
    %c0_i32_1 = arith.constant 0 : i32
    return %c0_i32, %c0_i32_0 : i32, i32
  }
  func.func @transform_9(%arg0: i32) -> (i32, i32) {
    %c0_i32 = arith.constant 0 : i32
    %c0_i32_0 = arith.constant 0 : i32
    %c0_i32_1 = arith.constant 0 : i32
    return %c0_i32, %c0_i32_0 : i32, i32
  }
  func.func @transform_10(%arg0: i32) -> (i32, i32) {
    %c0_i32 = arith.constant 0 : i32
    %c0_i32_0 = arith.constant 0 : i32
    %c0_i32_1 = arith.constant 0 : i32
    return %c0_i32, %c0_i32_0 : i32, i32
  }
  func.func @transform_11(%arg0: i32) -> (i32, i32) {
    %c0_i32 = arith.constant 0 : i32
    %c0_i32_0 = arith.constant 0 : i32
    %c0_i32_1 = arith.constant 0 : i32
    return %c0_i32, %c0_i32_0 : i32, i32
  }
  func.func @transform_12(%arg0: i32) -> (i32, i32) {
    %c0_i32 = arith.constant 0 : i32
    %c0_i32_0 = arith.constant 0 : i32
    return %arg0, %c0_i32 : i32, i32
  }
}

</mosaic_0001>

<sc_bundles>
// kernel: kernel.5.cloned.1.call-start
scs
__scs_entry_jumppad:
0x0: {  	(pc) =	sbr.rel $0x88, $3  }
0x1: {  	(tag) =	ssettag $0x0;
	lr =	simm.s32 $0x1  }
0x2: {  	[smem:$0x3F8C] =	sst lr;
	_ =	strace $0xD0000000  }
0x3: {  	_ = 	snop  }
0x4: {  	_ = 	snop  }
0x5: {  	_ = 	snop  }
0x6: {  	_ = 	snop  }
0x7: {  	_ = 	snop  }
__scs_overlays_trampoline_lowered:
0x8: {  	[smem:$0x3F9B] =	sst s0  }
0x9: {  	[smem:$0x3F9C] =	sst s1  }
0xa: {  	[smem:$0x3F9D] =	sst s2  }
0xb: {  	[smem:$0x3F9E] =	sst s3  }
0xc: {  	[smem:$0x3F9F] =	sst s4  }
0xd: {  	[smem:$0x3FA0] =	sst s5  }
0xe: {  	[smem:$0x3FA1] =	sst s6  }
0xf: {  	[smem:$0x3FA2] =	sst s7  }
0x10: {  	[smem:$0x3FA3] =	sst s8  }
0x11: {  	[smem:$0x3FA4] =	sst s9;
	s0 =	simm.s32 @!p0 $0x0  }
0x12: {  	s1 =	sld [smem:$0x3F8A];
	s0 =	simm.s32 @p0 $0x1  }
0x13: {  	[smem:$0x3FA5] =	sst s0;
	s0 =	simm.s32 @!p1 $0x0  }
0x14: {  	s2 =	sld [smem:$0x3F89];
	s0 =	simm.s32 @p1 $0x1  }
0x15: {  	[smem:$0x3FA6] =	sst s0;
	s0 =	simm.s32 @!p2 $0x0  }
0x16: {  	s3 =	sld [smem:$0x3FDB];
	s0 =	simm.s32 @p2 $0x1  }
0x17: {  	s4 =	simm.s32 $0x1BF5;
	[smem:$0x3FA8] =	sst s0  }
0x18: {  	s0 =	sld [smem:$0x3F8B];
	_ =	swait.ge [sflag:s4], $0x0  }
0x19: {  	s7 =	sld [smem:$0x3F8C]  }
0x1a: {  	s8 =	sadd.s32 $0xFFFFE003, lr  }
0x1b: {  	s9 =	sadd.s32 $0xFFFFFEF7, lr;
	s5 =	simm.s32 $0xFFFFFFFF;
	p2 =	slt.u32 s8, $0xFFFFF086  }
0x1c: {  	p1 =	slt.u32 s9, $0xF7A;
	s5 =	simm.s32 @!p2 $0x0  }
0x1d: {  	s5 =	simm.s32 @p1 $0x1;
	p0 =	seq.s32 s7, s2  }
0x1e: {  	s7 =	smul.u32 @!p0 $0xF7A, s2;
	p2 =	seq.s32 @!p0 s5, $0x0  }
0x1f: {  	s9 =	smul.u32 $0xF7A, s1;
	s8 =	simm.s32 @!p0 $0x1BF5;
	p2 =	por !p2, p0  }
0x20: {  	[sflag:s8] =	ssyncset.s32 @!p0 $0xFFFFF086;
	s6 =	sadd.s32 @!p0 s3, s7;
	s7 =	simm.s32 @!p0 $0x108  }
0x21: {  	s3 =	sadd.s32 s3, s9;
	s6 =	sadd.s32 @!p0 $0x88, s6;
	s7 =	simm.s32 @p2 $0x1082  }
0x22: {  	[simem:s7], [sflag:s8] =	dma.local @!p0 [hbm:s6], $0xF7A  }
0x23: {  	s9 =	sor.u32 $0xD0000000, s2;
	s6 =	simm.s32 $0x108;
	_ =	swait.ge @!p0 [sflag:s8], $0x0  }
0x24: {  	s3 =	sadd.s32 $0x88, s3;
	s6 =	simm.s32 @!p1 $0x1082;
	[sflag:s4] =	ssyncset.s32 $0xFFFFF086  }
0x25: {  	[simem:s6], [sflag:s4] =	dma.local [hbm:s3], $0xF7A  }
0x26: {  	[smem:$0x3F8C] =	sst s1;
	(tag) =	ssettag s2;
	_ =	strace s9  }
0x27: {  	s1 =	sld [smem:$0x3F9C]  }
0x28: {  	s2 =	sld [smem:$0x3F9D]  }
0x29: {  	s4 =	sld [smem:$0x3F9F]  }
0x2a: {  	p0 =	seq.s32 s5, $0x0;
	s5 =	sld [smem:$0x3FA0]  }
0x2b: {  	s6 =	sld [smem:$0x3FA1]  }
0x2c: {  	s7 =	sld [smem:$0x3FA2]  }
0x2d: {  	s3 =	simm.s32 $0x108;
	s8 =	sld [smem:$0x3FA3]  }
0x2e: {  	s3 =	simm.s32 @!p0 $0x1082;
	s9 =	sld [smem:$0x3FA4]  }
0x2f: {  	lr =	sadd.s32 s0, s3;
	s0 =	sld [smem:$0x3F9B]  }
0x30: {  	s3 =	sld [smem:$0x3F9E]  }
0x31: {  	[smem:$0x3FA7] =	sst s10  }
0x32: {  	s10 =	sld [smem:$0x3FA5];
	_ =	sdelay $0x3  }
0x33: {  	p0 =	seq.s32 s10, $0x1;
	s10 =	sld [smem:$0x3FA7];
	_ =	sdelay $0x3  }
0x34: {  	[smem:$0x3FA7] =	sst s10  }
0x35: {  	s10 =	sld [smem:$0x3FA6];
	_ =	sdelay $0x3  }
0x36: {  	p1 =	seq.s32 s10, $0x1;
	s10 =	sld [smem:$0x3FA7];
	_ =	sdelay $0x3  }
0x37: {  	[smem:$0x3FA7] =	sst s10  }
0x38: {  	s10 =	sld [smem:$0x3FA8]  }
0x39: {  	_ = 	snop;
	(pc) =	sbr.ind lr, $3  }
0x3a: {  	_ = 	snop  }
0x3b: {  	_ = 	snop  }
0x3c: {  	p2 =	seq.s32 s10, $0x1;
	s10 =	sld [smem:$0x3FA7]  }
0x3d: {  	_ =	shalt  }
0x3e: {  	_ =	shalt  }
0x3f: {  	_ =	shalt  }
0x40: {  	_ =	shalt  }
0x41: {  	_ =	shalt  }
0x42: {  	_ =	shalt  }
0x43: {  	_ =	shalt  }
0x44: {  	_ =	shalt  }
0x45: {  	_ =	shalt  }
0x46: {  	_ =	shalt  }
0x47: {  	_ =	shalt  }
0x48: {  	_ =	shalt  }
0x49: {  	_ =	shalt  }
0x4a: {  	_ =	shalt  }
0x4b: {  	_ =	shalt  }
0x4c: {  	_ =	shalt  }
0x4d: {  	_ =	shalt  }
0x4e: {  	_ =	shalt  }
0x4f: {  	_ =	shalt  }
0x50: {  	_ =	shalt  }
0x51: {  	_ =	shalt  }
0x52: {  	_ =	shalt  }
0x53: {  	_ =	shalt  }
0x54: {  	_ =	shalt  }
0x55: {  	_ =	shalt  }
0x56: {  	_ =	shalt  }
0x57: {  	_ =	shalt  }
0x58: {  	_ =	shalt  }
0x59: {  	_ =	shalt  }
0x5a: {  	_ =	shalt  }
0x5b: {  	_ =	shalt  }
0x5c: {  	_ =	shalt  }
0x5d: {  	_ =	shalt  }
0x5e: {  	_ =	shalt  }
0x5f: {  	_ =	shalt  }
0x60: {  	_ =	shalt  }
0x61: {  	_ =	shalt  }
0x62: {  	_ =	shalt  }
0x63: {  	_ =	shalt  }
0x64: {  	_ =	shalt  }
0x65: {  	_ =	shalt  }
0x66: {  	_ =	shalt  }
0x67: {  	_ =	shalt  }
0x68: {  	_ =	shalt  }
0x69: {  	_ =	shalt  }
0x6a: {  	_ =	shalt  }
0x6b: {  	_ =	shalt  }
0x6c: {  	_ =	shalt  }
0x6d: {  	_ =	shalt  }
0x6e: {  	_ =	shalt  }
0x6f: {  	_ =	shalt  }
0x70: {  	_ =	shalt  }
0x71: {  	_ =	shalt  }
0x72: {  	_ =	shalt  }
0x73: {  	_ =	shalt  }
0x74: {  	_ =	shalt  }
0x75: {  	_ =	shalt  }
0x76: {  	_ =	shalt  }
0x77: {  	_ =	shalt  }
0x78: {  	_ =	shalt  }
0x79: {  	_ =	shalt  }
0x7a: {  	_ =	shalt  }
0x7b: {  	_ =	shalt  }
0x7c: {  	_ =	shalt  }
0x7d: {  	_ =	shalt  }
0x7e: {  	_ =	shalt  }
0x7f: {  	_ =	shalt  }
0x80: {  	_ =	shalt  }
0x81: {  	_ =	shalt  }
0x82: {  	_ =	shalt  }
0x83: {  	_ =	shalt  }
0x84: {  	_ =	shalt  }
0x85: {  	_ =	shalt  }
0x86: {  	_ =	shalt  }
0x87: {  	_ =	shalt  }
.Lfunc_end0:
.L_simem_size_0:
called_computation_lowered:
.L_overlay_start_0:
0x88: {  	s2 =	sld [smem:$0x3FD9]  }
0x89: {  	s3 =	sld [smem:$0x3FFE];
	_ =	sdelay $0x1  }
0x8a: {  	s1 =	srdreg.scid  }
0x8b: {  	s0 =	sand.u32 $0x1, s1  }
0x8c: {  	s16 =	sshll.u32 s0, $0xA;
	s2 =	sadd.s32 s3, s2  }
0x8d: {  	s2 =	sadd.s32 s2, s16  }
0x8e: {  	[smem:$0x3FB3] =	sst s2  }
0x8f: {  	_ = 	snop  }
0x90: {  	(tm) =	ssettm $0x1  }
0x91: {  	s17 =	sld [smem:$0x3FFB];
	_ =	sdelay $0x3  }
0x92: {  	_ =	strace s17  }
0x93: {  	s2 =	sld [smem:$0x3FFC];
	_ =	sdelay $0x3  }
0x94: {  	_ =	strace s2  }
0x95: {  	s2 =	sld [smem:$0x3FFD];
	_ =	sdelay $0x3  }
0x96: {  	_ =	strace s2  }
0x97: {  	_ =	strace $0x8FFFFFFF  }
0x98: {  	s18 =	sld [smem:$0x3FDB];
	_ =	sdelay $0x1  }
0x99: {  	s19 =	simm.s32 $_scs_section_size  }
0x9a: {  	s4 =	simm.s32 $_size__tile_overlayer_lowered;
	s5 =	simm.s32 $_tile_overlayer_lowered  }
0x9b: {  	s22 =	simm.s32 $0x1BFF;
	s21 =	sshll.u32 s5, $0x1;
	s2 =	sadd.s32 s19, s18  }
0x9c: {  	s6 =	simm.s32 $0x0;
	s20 =	sshll.u32 s4, $0x1;
	s4 =	sadd.s32 s21, s2  }
0x9d: {  	[timem:s6], [sflag:s22] =	dma.local [hbm:s4], s20  }
0x9e: {  	_ =	swait.ge [sflag:s22], s20  }
0x9f: {  	s3 =	ssub.s32 $0x0, s20;
	[sflag:s22] =	ssyncset.done $0x0  }
0xa0: {  	[sflag:s22] =	ssyncadd.s32 s3;
	_ =	sdelay $0x1  }
0xa1: {  	s23 =	simm.s32 $0x1B8B  }
0xa2: {  	_ =	swait.ge [sflag:s23], $0x1  }
0xa3: {  	[sflag:s23] =	ssyncset.done $0x0  }
0xa4: {  	s25 =	simm.s32 $0x1B8E;
	s24 =	sld [smem:$0x3FFE];
	[sflag:s23] =	ssyncadd.s32 $0xFFFFFFFF  }
0xa5: {  	s26 =	simm.s32 $execute0_lowered;
	[smem:$0x3FD2] =	sst s25  }
0xa6: {  	s4 =	sshll.u32 s26, $0x1;
	_ =	strace $0x80000046;
	[dreg:$0x1] =	wrdreg $0xFFFFFFFF  }
0xa7: {  	s28 =	simm.s32 $_size_execute0_lowered;
	s2 =	sadd.s32 s2, s4;
	[dreg:$0x0] =	wrdreg $0x0  }
0xa8: {  	s4 =	sshll.u32 s28, $0x1;
	[dreg:$0x2] =	wrdreg s2  }
0xa9: {  	[dreg:$0x3] =	wrdreg s4  }
0xaa: {  	[dreg:$0x4] =	wrdreg $0xC0  }
0xab: {  	_ =	task [dreg:s6], $0x5FFFF  }
0xac: {  	[dreg:$0x1] =	wrdreg $0xFFFFFFFF  }
0xad: {  	[dreg:$0x0] =	wrdreg $0x60  }
0xae: {  	[dreg:$0x2] =	wrdreg s24  }
0xaf: {  	[dreg:$0x3] =	wrdreg $0x9  }
0xb0: {  	_ =	task.clear_ibuf [dreg:s6], $0x4FFFF;
	_ =	strace $0x90000046  }
0xb1: {  	s29 =	simm.s32 $0x9;
	_ =	strace $0x8000004F  }
0xb2: {  	_ =	swait.ge [sflag:s29], $0x1  }
0xb3: {  	[sflag:s29] =	ssyncadd.s32 $0xFFFFFFFF  }
0xb4: {  	_ =	strace $0x9000004F  }
0xb5: {  	_ =	sfence  }
0xb6: {  	s30 =	sld [smem:$0x0];
	_ =	sdelay $0x2  }
0xb7: {  	s31 =	sshll.u32 s1, $0xD;
	s1 =	sshrl.u32 s1, $0x2  }
0xb8: {  	s3 =	sand.u32 $0x4000, s31;
	s1 =	sadd.s32 s1, s30  }
0xb9: {  	s0 =	sor.u32 s3, s0;
	s1 =	sshll.u32 s1, $0x11  }
0xba: {  	s0 =	sor.u32 s1, s0  }
0xbb: {  	s0 =	sadd.s32 $0x8F2B, s0  }
0xbc: {  	[sflag:s0] =	ssyncadd.remote.s32 $0x1  }
0xbd: {  	_ =	sfence.sel $0xFFFF  }
0xbe: {  	[dreg:$0x0] =	wrdreg $0xFFFFFFFF;
	(pc) =	sbr.abs _section_cstart, $3  }
0xbf: {  	[dreg:$0x1] =	wrdreg $0xFFFFFFFF  }
0xc0: {  	_ =	task.clear_ibuf [dreg:s6], $0x2FFFF;
	_ =	strace $0x9FFFFFFF  }
0xc1: {  	(tm) =	ssettm $0x7FFFFFFF  }
tec
execute0_lowered:
.L_overlay_start_1:
0x0: {  	(tag) =	ssettag $0x1  }
0x1: {  	s0 =	srdreg.scid;
	s6 =	rddreg [dreg:$0x0]  }
0x2: {  	s28 =	stileid.u32;
	s2 =	simm.s32 $0x0;
	s5 =	sand.u32 $0x1, s0  }
0x3: {  	s10 =	simm.s32 $0x500;
	s11 =	simm.s32 $0x5;
	s3 =	sshll.u32 s5, $0x4  }
0x4: {  	s12 =	simm.s32 $0x0;
	[smem:$0x7FF] =	sst s2;
	s3 =	sor.u32 s28, s3  }
0x5: {  	s8 =	sadd.s32 $0xC6400, s6;
	_ =	strace $0x80000047;
	s4 =	smul.u32 $0x13, s3  }
0x6: {  	[dreg:$0x2] =	wrdreg s8;
	s29 =	ssub.s32 $0x2, s5;
	s7 =	smul.u32 $0x14, s3  }
0x7: {  	s31 =	sshrl.u32 s29, $0x1;
	p0 =	slt.u32 s3, $0x11;
	s3 =	sadd.s32 $0x11, s4  }
0x8: {  	s5 =	simm.s32 $0x14;
	s9 =	ssub.s32 s29, s31;
	s3 =	smov.u32 @p0 s7  }
0x9: {  	s5 =	simm.s32 @!p0 $0x13;
	s8 =	smax.u32 s9, $0x1;
	s30 =	smul.u32 $0xA0, s3  }
0xa: {  	s9 =	simm.s32 $0x1;
	s4 =	sadd.s32 $0x2E00, s6;
	s6 =	sadd.s32 $0xDEC00, s6  }
0xb: {  	[dreg:$0x3] =	wrdreg s6;
	s7 =	sadd.s32 $0xFFFFFFFF, s5;
	s6 =	sadd.s32 s4, s30  }
.LBB2_1:
0xc: {  	_ =	strace $0x80000048  }
0xd: {  	p0 =	seq.s32 s5, $0x1;
	s14 =	simm.s32 $0x1;
	p1 =	sne.s32 s5, $0x1  }
0xe: {  	[tilespmem:s2], [sflag:$0x1] =	stream.linear.gather [hbm4b:s6+s2], $0x500, $0x200038;
	[tilespmem:$0xAA00] =	vst v63  }
.Ltmp0:
0xf: {  	s14 =	simm.s32 @p0 $0x0;
	(pc) =	sbr.rel @!p1 .LBB2_2-.Ltmp0, $4  }
0x10: {  	p6 =	sgt.u32 s7, $0x0;
	s13 =	simm.s32 $0x1;
	p3 =	sne.s32 s14, $0x0  }
0x11: {  	s15 =	simm.s32 $0x1;
	_ =	strace $0x90000048;
	p0 =	por !p6, !p3  }
0x12: {  	p6 =	por $0x0, $0x0;
	p4 =	por !p0, !p0;
	p0 =	por $0x1, $0x1  }
0x13: {  	s25 =	sadd.s32 @p4 s3, s14;
	s15 =	simm.s32 @!p4 $0x0;
	s24 =	sand.u32 @p4 $0x1, s9  }
0x14: {  	s16 =	smul.u32 @p4 $0x500, s25  }
0x15: {  	s17 =	smul.u32 @p4 $0x1400, s24;
	s18 =	sadd.s32 @p4 $0x1, s24;
	s19 =	simm.s32 @p4 $0x0  }
0x16: {  	_ =	strace @p4 $0x80000049;
	s22 =	sand.u32 $0x1, s2;
	p1 =	por p3, p3  }
0x17: {  	p5 =	sne.s32 s5, $0x2;
	p2 =	por p0, p0;
	s24 =	simm.s32 $0x500  }
0x18: {  	p6 =	seq.s32 s7, $0x0;
	s31 =	simm.s32 $0x1;
	s25 =	sadd.s32 $0x1, s22  }
0x19: {  	p3 =	seq.s32 s22, $0x1;
	s26 =	smul.u32 $0x14000, s22;
	s16 =	sshrl.u32 @p4 s16, $0x3  }
0x1a: {  	p1 =	por p6, p1;
	s17 =	sshrl.u32 @p4 s17, $0x2;
	s16 =	sadd.s32 @p4 s4, s16  }
0x1b: {  	[tilespmem:s17], [sflag:s18] =	stream.linear.gather @p4 [hbm4b:s16+s19], $0x500, $0x200038;
	[tilespmem:$0xAA00] =	vst v63  }
0x1c: {  	s24 =	simm.s32 @!p3 $0x0;
	s28 =	simm.s32 @p1 $0x0;
	_ =	strace @p4 $0x90000049  }
0x1d: {  	s19 =	sand.u32 @!p0 $0x1, s2;
	s16 =	sadd.s32 $0x1, s15;
	_ =	strace $0x8000004A  }
0x1e: {  	s17 =	simm.s32 $0x2;
	s18 =	sadd.s32 $0x0, s3;
	_ =	swait.ge [sflag:s25], $0x500  }
0x1f: {  	s15 =	sshrl.u32 s26, $0x2;
	p0 =	por $0x0, $0x0;
	[sflag:s25] =	ssyncset.done $0x0  }
0x20: {  	s20 =	sadd.s32 @!p2 $0x3, s19;
	s19 =	sadd.s32 $0x1, s14;
	[sflag:s25] =	ssyncadd.s32 $0xFFFFFB00  }
0x21: {  	s23 =	sor.u32 $0xA00, s15;
	s15 =	simm.s32 $0x1;
	_ =	strace $0x9000004A  }
0x22: {  	s30 =	smul.u32 @p1 $0x5000, s18;
	s18 =	simm.s32 $0x0;
	_ =	strace $0x8000004B  }
0x23: {  	s15 =	simm.s32 @!p0 $0x0;
	p4 =	seq.s32 s19, s5;
	s21 =	rddreg [dreg:$0x2]  }
0x24: {  	[tilespmem:s23], [sflag:$0x5] =	stream.indirect.gather [hbm4b:s21+s10], $0x10, s24, s10, $0x2000b8;
	[tilespmem:$0xAA00] =	vst v63  }
0x25: {  	s19 =	simm.s32 @p4 $0x0;
	p4 =	sgt.u32 s7, $0x1;
	_ =	swait.ge [sflag:s11], $0x5000  }
.Ltmp1:
0x26: {  	p3 =	sne.s32 s14, s19;
	[sflag:s11] =	ssyncset.done $0x0;
	(pc) =	sbr.rel @!p5 .LBB2_4-.Ltmp1, $4  }
0x27: {  	p0 =	por $0x0, $0x0;
	p4 =	por !p4, !p3;
	[sflag:s11] =	ssyncadd.s32 $0xFFFFB000  }
0x28: {  	s15 =	sadd.s32 $0x0, s15;
	p4 =	por !p4, !p4;
	_ =	strace $0x9000004B  }
0x29: {  	s25 =	sadd.s32 @p4 s3, s19;
	s31 =	simm.s32 @!p4 $0x0;
	_ =	strace @p1 $0x8000004C  }
0x2a: {  	s24 =	sand.u32 @p4 $0x1, s16;
	s21 =	simm.s32 $0x0;
	s29 =	rddreg [dreg:$0x3]  }
.LBB2_5:
0x2b: {  	s0 =	smul.u32 @p4 $0x500, s25;
	s26 =	sand.u32 @!p0 $0x1, s15  }
0x2c: {  	s22 =	sadd.s32 @p1 $0x3, s22;
	s25 =	smov.u32 s13;
	s30 =	sshrl.u32 @p1 s30, $0x3  }
0x2d: {  	s13 =	smov.u32 s17;
	s1 =	smov.u32 s14;
	s29 =	sadd.s32 @p1 s29, s30  }
0x2e: {  	[hbm4b:s29+s28] =	stream.linear.scatter @p1 [tilespmem:s23], [sflag:s22], $0x5000, $0x200038;
	[tilespmem:$0xAA00] =	vst v63  }
0x2f: {  	p5 =	por p3, p3;
	s14 =	smul.u32 @p4 $0x1400, s24;
	_ =	strace @p1 $0x9000004C  }
0x30: {  	s16 =	sadd.s32 s31, s16;
	s17 =	sadd.s32 $0x1, s17;
	_ =	strace @!p2 $0x8000004D  }
0x31: {  	s31 =	simm.s32 $0x1;
	p6 =	sne.s32 s5, s17;
	_ =	swait.ge @!p2 [sflag:s20], $0x5000  }
0x32: {  	s0 =	sshrl.u32 @p4 s0, $0x3;
	s30 =	simm.s32 $0x1;
	[sflag:s20] =	ssyncset.done @!p2 $0x0  }
0x33: {  	s30 =	simm.s32 @!p1 $0x0;
	s23 =	sshrl.u32 @p4 s14, $0x2;
	[sflag:s20] =	ssyncadd.s32 @!p2 $0xFFFFB000  }
0x34: {  	s0 =	sadd.s32 @p4 s4, s0;
	s21 =	sadd.s32 s30, s21;
	_ =	strace @!p2 $0x9000004D  }
0x35: {  	s20 =	sadd.s32 @p4 $0x1, s24;
	s24 =	simm.s32 @p4 $0x0;
	_ =	strace @p4 $0x80000049  }
0x36: {  	[tilespmem:s23], [sflag:s20] =	stream.linear.gather @p4 [hbm4b:s0+s24], $0x500, $0x200038;
	[tilespmem:$0xAA00] =	vst v63  }
0x37: {  	s1 =	sadd.s32 s3, s1;
	s22 =	sand.u32 $0x1, s21;
	_ =	strace @p4 $0x90000049  }
0x38: {  	p1 =	seq.s32 s22, $0x1;
	s22 =	sadd.s32 $0x1, s22;
	_ =	strace $0x8000004A  }
0x39: {  	p3 =	sne.s32 s25, $0x0;
	s14 =	smov.u32 s19;
	_ =	swait.ge [sflag:s22], $0x500  }
0x3a: {  	s19 =	sadd.s32 $0x1, s19;
	s18 =	sadd.s32 s30, s18;
	[sflag:s22] =	ssyncset.done $0x0  }
0x3b: {  	p2 =	por p0, p0;
	[sflag:s22] =	ssyncadd.s32 $0xFFFFFB00;
	s22 =	sand.u32 $0x1, s18  }
0x3c: {  	s20 =	sadd.s32 @!p2 $0x3, s26;
	s26 =	simm.s32 $0x500;
	s23 =	smul.u32 $0x14000, s22  }
0x3d: {  	p0 =	seq.s32 s13, $0x0;
	s26 =	simm.s32 @!p1 $0x0;
	p1 =	seq.s32 s7, s25  }
0x3e: {  	p4 =	slt.u32 s13, s7;
	_ =	strace $0x9000004A;
	s0 =	sshrl.u32 s23, $0x2  }
0x3f: {  	_ =	strace $0x8000004B;
	s23 =	sor.u32 $0xA00, s0;
	s0 =	simm.s32 $0x1  }
0x40: {  	s24 =	rddreg [dreg:$0x2];
	s0 =	simm.s32 @!p3 $0x0;
	p3 =	seq.s32 s19, s5  }
0x41: {  	[tilespmem:s23], [sflag:$0x5] =	stream.indirect.gather [hbm4b:s24+s10], $0x10, s26, s10, $0x2000b8;
	[tilespmem:$0xAA00] =	vst v63  }
0x42: {  	p1 =	por p1, p5;
	s19 =	simm.s32 @p3 $0x0;
	_ =	swait.ge [sflag:s11], $0x5000  }
.Ltmp2:
0x43: {  	p3 =	sne.s32 s14, s19;
	[sflag:s11] =	ssyncset.done $0x0;
	(pc) =	sbr.rel @p6 .LBB2_5-.Ltmp2, $4  }
0x44: {  	s28 =	simm.s32 @p1 $0x0;
	p4 =	por !p4, !p3;
	[sflag:s11] =	ssyncadd.s32 $0xFFFFB000  }
0x45: {  	s30 =	smul.u32 @p1 $0x5000, s1;
	p4 =	por !p4, !p4;
	_ =	strace $0x9000004B  }
0x46: {  	s15 =	sadd.s32 s0, s15;
	s25 =	sadd.s32 @p4 s3, s19;
	_ =	strace @p1 $0x8000004C  }
0x47: {  	s31 =	simm.s32 @!p4 $0x0;
	s24 =	sand.u32 @p4 $0x1, s16;
	s29 =	rddreg [dreg:$0x3]  }
0x48: {  	p6 =	por $0x1, $0x1  }
.LBB2_7:
0x49: {  	p5 =	por !p1, !p6  }
0x4a: {  	s0 =	sshrl.u32 @!p5 s30, $0x3  }
0x4b: {  	s1 =	sadd.s32 @!p5 $0x3, s22;
	s0 =	sadd.s32 @!p5 s29, s0  }
0x4c: {  	[hbm4b:s0+s28] =	stream.linear.scatter @!p5 [tilespmem:s23], [sflag:s1], $0x5000, $0x200038;
	[tilespmem:$0xAA00] =	vst v63  }
0x4d: {  	p1 =	por p2, !p6;
	_ =	strace @!p5 $0x9000004C  }
0x4e: {  	s16 =	smul.u32 @p4 $0x1400, s24;
	s19 =	simm.s32 $0x0;
	_ =	strace @!p1 $0x8000004D  }
0x4f: {  	s0 =	smul.u32 @p4 $0x500, s25;
	s1 =	simm.s32 $0x1;
	_ =	swait.ge @!p1 [sflag:s20], $0x5000  }
0x50: {  	s16 =	sshrl.u32 @p4 s16, $0x2;
	s1 =	simm.s32 @p5 $0x0;
	[sflag:s20] =	ssyncset.done @!p1 $0x0  }
0x51: {  	s17 =	sadd.s32 @p6 s1, s21;
	s0 =	sshrl.u32 @p4 s0, $0x3;
	[sflag:s20] =	ssyncadd.s32 @!p1 $0xFFFFB000  }
0x52: {  	s19 =	smov.u32 @p6 s17;
	s0 =	sadd.s32 @p4 s4, s0;
	_ =	strace @!p1 $0x9000004D  }
0x53: {  	s17 =	sadd.s32 @p4 $0x1, s24;
	s20 =	simm.s32 @p4 $0x0;
	_ =	strace @p4 $0x80000049  }
0x54: {  	[tilespmem:s16], [sflag:s17] =	stream.linear.gather @p4 [hbm4b:s0+s20], $0x500, $0x200038;
	[tilespmem:$0xAA00] =	vst v63  }
0x55: {  	s1 =	sadd.s32 @p6 s1, s18;
	s25 =	sand.u32 $0x1, s19;
	_ =	strace @p4 $0x90000049  }
0x56: {  	s26 =	sadd.s32 $0x1, s25;
	s17 =	simm.s32 $0x0;
	_ =	strace $0x8000004A  }
0x57: {  	s17 =	smov.u32 @p6 s1;
	_ =	swait.ge [sflag:s26], $0x500  }
0x58: {  	s1 =	sand.u32 $0x1, s17;
	[sflag:s26] =	ssyncset.done $0x0  }
0x59: {  	s28 =	smul.u32 $0x14000, s1;
	[sflag:s26] =	ssyncadd.s32 $0xFFFFFB00  }
0x5a: {  	p1 =	seq.s32 s25, $0x1;
	_ =	strace $0x9000004A  }
0x5b: {  	s16 =	simm.s32 $0x500;
	s30 =	sshrl.u32 s28, $0x2;
	_ =	strace $0x8000004B  }
0x5c: {  	s16 =	simm.s32 @!p1 $0x0;
	s0 =	sor.u32 $0xA00, s30;
	s29 =	rddreg [dreg:$0x2]  }
0x5d: {  	[tilespmem:s0], [sflag:$0x5] =	stream.indirect.gather [hbm4b:s29+s10], $0x10, s16, s10, $0x2000b8;
	[tilespmem:$0xAA00] =	vst v63  }
0x5e: {  	_ =	swait.ge [sflag:s11], $0x5000  }
0x5f: {  	p5 =	por p3, p3;
	p6 =	seq.s32 s7, s13;
	[sflag:s11] =	ssyncset.done $0x0  }
0x60: {  	s14 =	sadd.s32 s3, s14;
	p1 =	por p6, p5;
	[sflag:s11] =	ssyncadd.s32 $0xFFFFB000  }
0x61: {  	s14 =	smul.u32 @p1 $0x5000, s14;
	_ =	strace $0x9000004B  }
0x62: {  	_ =	strace @p1 $0x8000004C  }
0x63: {  	s14 =	sshrl.u32 @p1 s14, $0x3;
	s16 =	rddreg [dreg:$0x3]  }
0x64: {  	s17 =	simm.s32 @p1 $0x0;
	s1 =	sadd.s32 @p1 $0x3, s1;
	s14 =	sadd.s32 @p1 s16, s14  }
0x65: {  	[hbm4b:s14+s17] =	stream.linear.scatter @p1 [tilespmem:s0], [sflag:s1], $0x5000, $0x200038;
	[tilespmem:$0xAA00] =	vst v63  }
0x66: {  	s0 =	sand.u32 @!p0 $0x1, s15;
	p0 =	por p0, p0;
	_ =	strace @p1 $0x9000004C  }
0x67: {  	s0 =	sadd.s32 @!p0 $0x3, s0;
	_ =	strace @!p0 $0x8000004D  }
0x68: {  	s1 =	simm.s32 $0x1;
	p1 =	sne.s32 s13, $0x0;
	_ =	swait.ge @!p0 [sflag:s0], $0x5000  }
0x69: {  	s1 =	simm.s32 @!p1 $0x0;
	[sflag:s0] =	ssyncset.done @!p0 $0x0  }
0x6a: {  	s12 =	sadd.s32 $0x1, s12;
	s1 =	sadd.s32 s1, s15;
	[sflag:s0] =	ssyncadd.s32 @!p0 $0xFFFFB000  }
0x6b: {  	s31 =	sand.u32 $0x1, s1;
	_ =	strace @!p0 $0x9000004D;
	p0 =	sne.s32 s12, s8  }
.Ltmp3:
0x6c: {  	s0 =	sadd.s32 $0x3, s31;
	_ =	strace $0x8000004E;
	(pc) =	sbr.rel @p0 .LBB2_1-.Ltmp3, $4  }
.Ltmp4:
0x6d: {  	_ =	swait.ge [sflag:s0], $0x5000;
	(pc) =	sbr.rel @!p0 .LBB2_8-.Ltmp4, $4  }
0x6e: {  	[sflag:s0] =	ssyncset.done $0x0  }
0x6f: {  	[sflag:s0] =	ssyncadd.s32 $0xFFFFB000  }
0x70: {  	_ =	strace $0x9000004E  }
0x71: {  	_ = 	snop  }
.LBB2_2:
.Ltmp5:
0x72: {  	(pc) =	sbr.rel .LBB2_7-.Ltmp5, $3  }
0x73: {  	_ =	sdelay $0x1  }
0x74: {  	s15 =	simm.s32 $0x0;
	s13 =	simm.s32 $0x0  }
0x75: {  	s14 =	simm.s32 $0x0;
	s18 =	simm.s32 $0x0;
	s21 =	simm.s32 $0x0  }
.LBB2_4:
.Ltmp6:
0x76: {  	(pc) =	sbr.rel .LBB2_7-.Ltmp6, $2  }
0x77: {  	_ =	sdelay $0x2  }
0x78: {  	s18 =	simm.s32 $0x0;
	s21 =	simm.s32 $0x0;
	p6 =	por $0x1, $0x1  }
.LBB2_8:
0x79: {  	_ =	sfence.sel $0x180000  }
0x7a: {  	[bflag:$0x0] =	sbarrier.arrive $0xFFFF  }
0x7b: {  	_ =	strace $0x90000047  }
0x7c: {  	s0 =	stileid.u32;
	[bflag:$0x2] =	sbarrier.arrive $0xFFFF  }
0x7d: {  	p0 =	sne.s32 s0, $0x0;
	s0 =	rddreg [dreg:$0x1]  }
0x7e: {  	s0 =	sadd.s32 @!p0 $0x100000, s0  }
0x7f: {  	[sflag:s0] =	ssyncadd.tile.s32 @!p0 $0x1;
	_ =	shalt  }
.Lfunc_end2:
_tile_overlayer_lowered:
.L_overlay_start_2:
0x80: {  	(tag) =	ssettag $0x2  }
0x81: {  	s0 =	rddreg [dreg:$0x0];
	s2 =	stileid.u32  }
0x82: {  	s1 =	rddreg [dreg:$0x1];
	p0 =	sne.s32 s2, $0x0  }
0x83: {  	s3 =	rddreg [dreg:$0x2];
	[bflag:$0x3] =	sbarrier.arrive $0xFFFF;
	s2 =	simm.s32 @!p0 $0x1C01  }
0x84: {  	[timem:s3], [sflag:s2] =	dma.local @!p0 [hbm:s0], s1  }
0x85: {  	s0 =	simm.s32 @!p0 $0x1  }
0x86: {  	_ =	swait.ge @!p0 [sflag:s0], s1  }
0x87: {  	s1 =	ssub.s32 @!p0 $0x0, s1;
	[sflag:s0] =	ssyncset.done @!p0 $0x0  }
0x88: {  	[sflag:s0] =	ssyncadd.s32 @!p0 s1  }
0x89: {  	[bflag:$0x3] =	sbarrier.arrive $0xFFFF  }
0x8a: {  	_ =	shalt  }

</sc_bundles>
